<compile_context>
chip_gen: v7x
topology: tpu7x:2x2x1
jax: 0.10.2.dev20260603
libtpu: 0.0.44.dev20260713+nightly
codegen_flags: <defaults>
</compile_context>

<pallas_src>
import functools

import jax
import jax.numpy as jnp
from jax import lax
from jax.experimental import pallas as pl
from jax.experimental.pallas import tpu as pltpu
from jax.experimental.pallas import tpu_sc as plsc

_VOCAB = 100000
_D = 64
_B = 4096
_L = 200

_NC = 2
_NS = 16
_LANES = 16
_RPT = _B // _NS
_WPT = _RPT * _L
_HALF = 50176
_VPAD = _NC * _HALF
_ZROW = _HALF
_GRP = 16

_BLK = 32


def _sc_pool(table_hbm, ids_hbm, mask_hbm, out_hbm,
             ids_v, mask_t, buf_a, buf_b, zrow_v, out_v, nrow_s,
             spmem_t, sem_a, sem_b, sem_0):
  cid = lax.axis_index("c")
  sid = lax.axis_index("s")
  base = sid * _WPT
  vbase = cid * _HALF

  @pl.when(sid == 0)
  def _stage_table():
    @pl.when(cid == 0)
    def _():
      pltpu.async_copy(table_hbm.at[pl.ds(0, _HALF)],
                       spmem_t.at[pl.ds(0, _HALF)], sem_0)

    @pl.when(cid == 1)
    def _():
      pltpu.async_copy(table_hbm.at[pl.ds(_HALF, _VOCAB - _HALF)],
                       spmem_t.at[pl.ds(0, _VOCAB - _HALF)], sem_0)

    for r in range(8):
      for j in range(_D // 32):
        zrow_v[r, pl.ds(j * 32, 32)] = jnp.zeros((32,), jnp.bfloat16)
    pltpu.sync_copy(zrow_v, spmem_t.at[pl.ds(_ZROW, 8)])

  lane = lax.iota(jnp.int32, _LANES)

  @pl.when(sid == 0)
  def _wait_table():
    @pl.when(cid == 0)
    def _():
      pltpu.make_async_copy(table_hbm.at[pl.ds(0, _HALF)],
                            spmem_t.at[pl.ds(0, _HALF)], sem_0).wait()

    @pl.when(cid == 1)
    def _():
      pltpu.make_async_copy(table_hbm.at[pl.ds(_HALF, _VOCAB - _HALF)],
                            spmem_t.at[pl.ds(0, _VOCAB - _HALF)], sem_0).wait()
  plsc.subcore_barrier()

  _CHUNKS = ((0, 56, 0), (56, 16, 56), (72, 32, 72), (104, 96, 104))

  def issue(b, buf, sem):
    roff = b * _L
    n = nrow_s[b]
    for off, sz, gate in _CHUNKS:
      def go(off=off, sz=sz):
        pltpu.async_copy(spmem_t.at[ids_v.at[pl.ds(roff + off, sz)]],
                         buf.at[pl.ds(off, sz)], sem)
      if gate == 0:
        go()
      else:
        pl.when(n > gate)(go)

  def drain(b, buf, sem):
    n = nrow_s[b]
    for off, sz, gate in _CHUNKS:
      def go(off=off, sz=sz):
        pltpu.make_async_copy(table_hbm.at[pl.ds(0, sz)],
                              buf.at[pl.ds(off, sz)], sem).wait()
      if gate == 0:
        go()
      else:
        pl.when(n > gate)(go)

  def process(b, buf):
    def body(l, acc):
      e0, o0 = plsc.unpack(buf[l, pl.ds(0, 32)],
                           format=plsc.PackFormat.INTERLEAVED,
                           preferred_element_type=jnp.float32)
      e1, o1 = plsc.unpack(buf[l, pl.ds(32, 32)],
                           format=plsc.PackFormat.INTERLEAVED,
                           preferred_element_type=jnp.float32)
      return (acc[0] + e0, acc[1] + o0, acc[2] + e1, acc[3] + o1)

    acc = lax.fori_loop(
        0, nrow_s[b], body,
        tuple(jnp.zeros((_LANES,), jnp.float32) for _ in range(4)))
    for c in range(4):
      out_v[b, pl.ds(c * _LANES, _LANES)] = acc[c]

  @pl.loop(0, _RPT // _BLK)
  def _block(blk):
    boff = base + blk * _BLK * _L

    pltpu.sync_copy(ids_hbm.at[pl.ds(boff, _BLK * _L)],
                    ids_v.at[pl.ds(0, _BLK * _L)])

    @pl.loop(0, _BLK // _GRP)
    def _prep(g):
      goff = g * _GRP * _L
      pltpu.sync_copy(mask_hbm.at[pl.ds(boff + goff, _GRP * _L)], mask_t)

      @pl.loop(0, _GRP * _L // _LANES, unroll=8)
      def _mask_ids(j):
        off = j * _LANES
        m = mask_t[pl.ds(off, _LANES)]
        loc = ids_v[pl.ds(goff + off, _LANES)] - vbase
        ok = (m > 0) & (loc >= 0) & (loc < _HALF)
        ids_v[pl.ds(goff + off, _LANES)] = jnp.where(
            ok, loc, jnp.full((_LANES,), _ZROW, jnp.int32))

    @pl.loop(0, _BLK)
    def _compact(rb):
      roff = rb * _L

      def cc(j, off):
        o = j * _LANES
        idv = ids_v[pl.ds(roff + o, _LANES)]
        ok = idv < _ZROW
        ok = jnp.where(j == _L // _LANES,
                       ok & (lane < _L - (_L // _LANES) * _LANES), ok)
        plsc.store_compressed(ids_v.at[pl.ds(roff + off, _LANES)], idv, mask=ok)
        return off + plsc.all_reduce_population_count(ok)[0]

      n = lax.fori_loop(0, _L // _LANES + 1, cc, 0)
      nrow_s[rb] = n

    issue(0, buf_a, sem_a)

    @pl.loop(0, _BLK // 2)
    def _main(i):
      b0 = 2 * i
      issue(b0 + 1, buf_b, sem_b)
      drain(b0, buf_a, sem_a)
      process(b0, buf_a)

      @pl.when(i < _BLK // 2 - 1)
      def _():
        issue(b0 + 2, buf_a, sem_a)

      drain(b0 + 1, buf_b, sem_b)
      process(b0 + 1, buf_b)

    obase = sid * _RPT + blk * _BLK
    pltpu.sync_copy(out_v, out_hbm.at[cid, pl.ds(obase, _BLK)])


@functools.cache
def _sc_pool_call():
  return pl.kernel(
      _sc_pool,
      out_type=jax.ShapeDtypeStruct((_NC, _B, _D), jnp.float32),
      mesh=plsc.VectorSubcoreMesh(core_axis_name="c", subcore_axis_name="s",
                                  num_cores=_NC, num_subcores=_NS),
      compiler_params=pltpu.CompilerParams(needs_layout_passes=False,
                                           use_tc_tiling_on_sc=False),
      scratch_types=[
          pltpu.VMEM((_BLK * _L + 16,), jnp.int32),
          pltpu.VMEM((_GRP * _L,), jnp.int32),
          pltpu.VMEM((_L, _D), jnp.bfloat16),
          pltpu.VMEM((_L, _D), jnp.bfloat16),
          pltpu.VMEM((8, _D), jnp.bfloat16),
          pltpu.VMEM((_BLK, _D), jnp.float32),
          pltpu.SMEM((_BLK,), jnp.int32),
          pltpu.VMEM_SHARED((_HALF + 8, _D), jnp.bfloat16),
          pltpu.SemaphoreType.DMA,
          pltpu.SemaphoreType.DMA,
          pltpu.SemaphoreType.DMA,
      ],
  )


def _tc_finish_body(p_ref, mask_ref, gamma_ref, beta_ref, o_ref):
  cnt = jnp.sum(mask_ref[...].astype(jnp.float32), axis=-1, keepdims=True)
  x = (p_ref[0] + p_ref[1]) / jnp.maximum(cnt, 1.0)
  g = gamma_ref[...]
  b = beta_ref[...]
  mean = jnp.mean(x, axis=-1, keepdims=True)
  xc = x - mean
  var = jnp.mean(xc * xc, axis=-1, keepdims=True)
  y = xc * lax.rsqrt(var + 1e-5) * g + b
  nrm = jnp.sqrt(jnp.sum(y * y, axis=-1, keepdims=True))
  o_ref[...] = y / jnp.maximum(nrm, 1e-12)


@jax.jit
def kernel(table, gamma, beta, input_ids, attention_mask):
  table_b = table.astype(jnp.bfloat16)
  ids_flat = input_ids.astype(jnp.int32).reshape(_B * _L)
  mask_flat = attention_mask.astype(jnp.int32).reshape(_B * _L)
  sums = _sc_pool_call()(table_b, ids_flat, mask_flat)
  sums = (sums.reshape(_NC, _B, 2, 2, 16).swapaxes(-1, -2)
          .reshape(_NC, _B, _D))
  out = pl.pallas_call(
      _tc_finish_body,
      out_shape=jax.ShapeDtypeStruct((_B, _D), jnp.float32),
  )(sums, mask_flat.reshape(_B, _L), gamma.reshape(1, _D),
    beta.reshape(1, _D))
  return out

# --- scband reference (transcript-rebuilt; emitter-appended) ---
"""Pipeline reference for scband-text-fusion-wrapper-42537356099987 (READ-ONLY COPY).

The authoritative reference and input builder live on the scoring server;
editing this copy changes nothing except your own understanding.
"""

import jax, jax.numpy as jnp
import numpy as np

VOCAB = 100000
D = 64
B = 4096
L = 200
OUTPUT_DIM = 64


def setup_inputs(seed: int = 0) -> dict:
    key = jax.random.key(seed)
    k1, k2, k3 = jax.random.split(key, 3)
    input_ids = jax.random.randint(k1, (B, L), 0, VOCAB)
    attention_mask = jax.random.randint(k2, (B, L), 0, 2)
    table = jax.random.normal(k3, (VOCAB, D), dtype=jnp.float32) * 0.02
    gamma = jnp.ones((D,), dtype=jnp.float32)
    beta = jnp.zeros((D,), dtype=jnp.float32)
    return {"table": table, "gamma": gamma, "beta": beta, "input_ids": input_ids, "attention_mask": attention_mask}


def reference(table, gamma, beta, input_ids, attention_mask):
    # embed_tokens(input_ids) -> gather rows from embedding table
    embeddings = jnp.take(table, input_ids, axis=0)  # [B, L, D]
    mask = attention_mask[..., None].astype(embeddings.dtype)  # [B, L, 1]
    masked = embeddings * mask
    denom = jnp.clip(jnp.sum(mask, axis=1), 1.0, None)  # [B, 1]
    pooled = jnp.sum(masked, axis=1) / denom  # [B, D]
    # LayerNorm(D), eps=1e-5 (torch default)
    mean = jnp.mean(pooled, axis=-1, keepdims=True)
    var = jnp.var(pooled, axis=-1, keepdims=True)
    pooled = (pooled - mean) / jnp.sqrt(var + 1e-5) * gamma + beta
    pooled = pooled[..., :OUTPUT_DIM]
    # F.normalize(dim=-1), eps=1e-12
    norm = jnp.linalg.norm(pooled, axis=-1, keepdims=True)
    return pooled / jnp.maximum(norm, 1e-12)

if __name__ == "__main__":
    import jax
    _d = setup_inputs()
    print(jax.jit(kernel)(*tuple(_d.values())))

</pallas_src>

<mosaic_0001>
#map = affine_map<(d0, d1) -> (0, 0)>
#map1 = affine_map<(d0, d1) -> (0)>
#map2 = affine_map<(d0, d1) -> (0, 0, 0)>
module attributes {stable_mosaic.version = 14 : i64} {
  func.func @_sc_pool(%arg0: i32, %arg1: i32, %arg2: memref<100000x64xbf16, #tpu.memory_space<hbm>>, %arg3: memref<819200xi32, #tpu.memory_space<hbm>>, %arg4: memref<819200xi32, #tpu.memory_space<hbm>>, %arg5: memref<2x4096x64xf32, #tpu.memory_space<hbm>>, %arg6: memref<6416xi32, #tpu.memory_space<vmem>>, %arg7: memref<3200xi32, #tpu.memory_space<vmem>>, %arg8: memref<200x64xbf16, #tpu.memory_space<vmem>>, %arg9: memref<200x64xbf16, #tpu.memory_space<vmem>>, %arg10: memref<8x64xbf16, #tpu.memory_space<vmem>>, %arg11: memref<32x64xf32, #tpu.memory_space<vmem>>, %arg12: memref<32xi32, #tpu.memory_space<smem>>, %arg13: memref<50184x64xbf16, #tpu.memory_space<vmem_shared>>, %arg14: memref<!tpu.dma_semaphore, #tpu.memory_space<semaphore_mem>>, %arg15: memref<!tpu.dma_semaphore, #tpu.memory_space<semaphore_mem>>, %arg16: memref<!tpu.dma_semaphore, #tpu.memory_space<semaphore_mem>>) attributes {dimension_semantics = [#tpu.dimension_semantics<core_parallel>, #tpu.dimension_semantics<subcore_parallel>], iteration_bounds = array<i64: 2, 16>, scalar_prefetch = 0 : i64, scratch_operands = 11 : i64, tpu.core_type = #tpu.core_type<sc_vector_subcore>, window_params = [{transform_indices = #map}, {transform_indices = #map1}, {transform_indices = #map1}, {transform_indices = #map2}]} {
    %mul3A = arith.constant 51200 : i32
    %mul3A_0 = arith.muli %arg1, %mul3A : i32
    %mul3A_1 = arith.constant 50176 : i32
    %mul3A_2 = arith.muli %arg0, %mul3A_1 : i32
    %eq3A = arith.constant 0 : i32
    %eq3A_3 = arith.cmpi eq, %arg1, %eq3A : i32
    %convert_element_type3A = arith.extui %eq3A_3 : i1 to i32
    %cond3A = arith.constant 0 : i32
    %cond3A_4 = arith.cmpi ne, %convert_element_type3A, %cond3A : i32
    scf.if %cond3A_4 {
      %eq3A_14 = arith.constant 0 : i32
      %eq3A_15 = arith.cmpi eq, %arg0, %eq3A_14 : i32
      %convert_element_type3A_16 = arith.extui %eq3A_15 : i1 to i32
      %cond3A_17 = arith.constant 0 : i32
      %cond3A_18 = arith.cmpi ne, %convert_element_type3A_16, %cond3A_17 : i32
      scf.if %cond3A_18 {
        %dma_start3A = arith.constant 0 : i32
        %dma_start3A_118 = arith.constant 0 : i32
        %dma_start3A_119 = tpu.memref_slice %arg13[%dma_start3A, %dma_start3A_118] : memref<50184x64xbf16, #tpu.memory_space<vmem_shared>> -> memref<50176x64xbf16, #tpu.memory_space<vmem_shared>>
        %dma_start3A_120 = arith.constant 0 : i32
        %dma_start3A_121 = arith.constant 0 : i32
        %dma_start3A_122 = tpu.memref_slice %arg2[%dma_start3A_120, %dma_start3A_121] : memref<100000x64xbf16, #tpu.memory_space<hbm>> -> memref<50176x64xbf16, #tpu.memory_space<hbm>>
        tpu.enqueue_dma source(%dma_start3A_122 : memref<50176x64xbf16, #tpu.memory_space<hbm>>) target(%dma_start3A_119 : memref<50176x64xbf16, #tpu.memory_space<vmem_shared>>) target_semaphore(%arg16 : memref<!tpu.dma_semaphore, #tpu.memory_space<semaphore_mem>>)
      } else {
      }
      %eq3A_19 = arith.constant 1 : i32
      %eq3A_20 = arith.cmpi eq, %arg0, %eq3A_19 : i32
      %convert_element_type3A_21 = arith.extui %eq3A_20 : i1 to i32
      %cond3A_22 = arith.constant 0 : i32
      %cond3A_23 = arith.cmpi ne, %convert_element_type3A_21, %cond3A_22 : i32
      scf.if %cond3A_23 {
        %dma_start3A = arith.constant 0 : i32
        %dma_start3A_118 = arith.constant 0 : i32
        %dma_start3A_119 = tpu.memref_slice %arg13[%dma_start3A, %dma_start3A_118] : memref<50184x64xbf16, #tpu.memory_space<vmem_shared>> -> memref<49824x64xbf16, #tpu.memory_space<vmem_shared>>
        %dma_start3A_120 = arith.constant 50176 : i32
        %dma_start3A_121 = arith.constant 0 : i32
        %dma_start3A_122 = tpu.memref_slice %arg2[%dma_start3A_120, %dma_start3A_121] : memref<100000x64xbf16, #tpu.memory_space<hbm>> -> memref<49824x64xbf16, #tpu.memory_space<hbm>>
        tpu.enqueue_dma source(%dma_start3A_122 : memref<49824x64xbf16, #tpu.memory_space<hbm>>) target(%dma_start3A_119 : memref<49824x64xbf16, #tpu.memory_space<vmem_shared>>) target_semaphore(%arg16 : memref<!tpu.dma_semaphore, #tpu.memory_space<semaphore_mem>>)
      } else {
      }
      %broadcast_in_dim3A = arith.constant 0.000000e+00 : bf16
      %broadcast_in_dim3A_24 = vector.broadcast %broadcast_in_dim3A : bf16 to vector<32xbf16>
      %swap3A = arith.constant 0 : i32
      %swap3A_25 = arith.index_cast %swap3A : i32 to index
      %swap3A_26 = arith.constant 0 : index
      %swap3A_27 = tpu.vector_load %arg10[%swap3A_25, %swap3A_26] {strides = array<i32>} : memref<8x64xbf16, #tpu.memory_space<vmem>>, vector<32xbf16>,
      tpu.vector_store %arg10[%swap3A_25, %swap3A_26], %broadcast_in_dim3A_24 {strides = array<i32>} : memref<8x64xbf16, #tpu.memory_space<vmem>>, vector<32xbf16>,
      %broadcast_in_dim3A_28 = arith.constant 0.000000e+00 : bf16
      %broadcast_in_dim3A_29 = vector.broadcast %broadcast_in_dim3A_28 : bf16 to vector<32xbf16>
      %swap3A_30 = arith.constant 0 : i32
      %swap3A_31 = arith.index_cast %swap3A_30 : i32 to index
      %swap3A_32 = arith.constant 32 : index
      %swap3A_33 = tpu.vector_load %arg10[%swap3A_31, %swap3A_32] {strides = array<i32>} : memref<8x64xbf16, #tpu.memory_space<vmem>>, vector<32xbf16>,
      tpu.vector_store %arg10[%swap3A_31, %swap3A_32], %broadcast_in_dim3A_29 {strides = array<i32>} : memref<8x64xbf16, #tpu.memory_space<vmem>>, vector<32xbf16>,
      %broadcast_in_dim3A_34 = arith.constant 0.000000e+00 : bf16
      %broadcast_in_dim3A_35 = vector.broadcast %broadcast_in_dim3A_34 : bf16 to vector<32xbf16>
      %swap3A_36 = arith.constant 1 : i32
      %swap3A_37 = arith.index_cast %swap3A_36 : i32 to index
      %swap3A_38 = arith.constant 0 : index
      %swap3A_39 = tpu.vector_load %arg10[%swap3A_37, %swap3A_38] {strides = array<i32>} : memref<8x64xbf16, #tpu.memory_space<vmem>>, vector<32xbf16>,
      tpu.vector_store %arg10[%swap3A_37, %swap3A_38], %broadcast_in_dim3A_35 {strides = array<i32>} : memref<8x64xbf16, #tpu.memory_space<vmem>>, vector<32xbf16>,
      %broadcast_in_dim3A_40 = arith.constant 0.000000e+00 : bf16
      %broadcast_in_dim3A_41 = vector.broadcast %broadcast_in_dim3A_40 : bf16 to vector<32xbf16>
      %swap3A_42 = arith.constant 1 : i32
      %swap3A_43 = arith.index_cast %swap3A_42 : i32 to index
      %swap3A_44 = arith.constant 32 : index
      %swap3A_45 = tpu.vector_load %arg10[%swap3A_43, %swap3A_44] {strides = array<i32>} : memref<8x64xbf16, #tpu.memory_space<vmem>>, vector<32xbf16>,
      tpu.vector_store %arg10[%swap3A_43, %swap3A_44], %broadcast_in_dim3A_41 {strides = array<i32>} : memref<8x64xbf16, #tpu.memory_space<vmem>>, vector<32xbf16>,
      %broadcast_in_dim3A_46 = arith.constant 0.000000e+00 : bf16
      %broadcast_in_dim3A_47 = vector.broadcast %broadcast_in_dim3A_46 : bf16 to vector<32xbf16>
      %swap3A_48 = arith.constant 2 : i32
      %swap3A_49 = arith.index_cast %swap3A_48 : i32 to index
      %swap3A_50 = arith.constant 0 : index
      %swap3A_51 = tpu.vector_load %arg10[%swap3A_49, %swap3A_50] {strides = array<i32>} : memref<8x64xbf16, #tpu.memory_space<vmem>>, vector<32xbf16>,
      tpu.vector_store %arg10[%swap3A_49, %swap3A_50], %broadcast_in_dim3A_47 {strides = array<i32>} : memref<8x64xbf16, #tpu.memory_space<vmem>>, vector<32xbf16>,
      %broadcast_in_dim3A_52 = arith.constant 0.000000e+00 : bf16
      %broadcast_in_dim3A_53 = vector.broadcast %broadcast_in_dim3A_52 : bf16 to vector<32xbf16>
      %swap3A_54 = arith.constant 2 : i32
      %swap3A_55 = arith.index_cast %swap3A_54 : i32 to index
      %swap3A_56 = arith.constant 32 : index
      %swap3A_57 = tpu.vector_load %arg10[%swap3A_55, %swap3A_56] {strides = array<i32>} : memref<8x64xbf16, #tpu.memory_space<vmem>>, vector<32xbf16>,
      tpu.vector_store %arg10[%swap3A_55, %swap3A_56], %broadcast_in_dim3A_53 {strides = array<i32>} : memref<8x64xbf16, #tpu.memory_space<vmem>>, vector<32xbf16>,
      %broadcast_in_dim3A_58 = arith.constant 0.000000e+00 : bf16
      %broadcast_in_dim3A_59 = vector.broadcast %broadcast_in_dim3A_58 : bf16 to vector<32xbf16>
      %swap3A_60 = arith.constant 3 : i32
      %swap3A_61 = arith.index_cast %swap3A_60 : i32 to index
      %swap3A_62 = arith.constant 0 : index
      %swap3A_63 = tpu.vector_load %arg10[%swap3A_61, %swap3A_62] {strides = array<i32>} : memref<8x64xbf16, #tpu.memory_space<vmem>>, vector<32xbf16>,
      tpu.vector_store %arg10[%swap3A_61, %swap3A_62], %broadcast_in_dim3A_59 {strides = array<i32>} : memref<8x64xbf16, #tpu.memory_space<vmem>>, vector<32xbf16>,
      %broadcast_in_dim3A_64 = arith.constant 0.000000e+00 : bf16
      %broadcast_in_dim3A_65 = vector.broadcast %broadcast_in_dim3A_64 : bf16 to vector<32xbf16>
      %swap3A_66 = arith.constant 3 : i32
      %swap3A_67 = arith.index_cast %swap3A_66 : i32 to index
      %swap3A_68 = arith.constant 32 : index
      %swap3A_69 = tpu.vector_load %arg10[%swap3A_67, %swap3A_68] {strides = array<i32>} : memref<8x64xbf16, #tpu.memory_space<vmem>>, vector<32xbf16>,
      tpu.vector_store %arg10[%swap3A_67, %swap3A_68], %broadcast_in_dim3A_65 {strides = array<i32>} : memref<8x64xbf16, #tpu.memory_space<vmem>>, vector<32xbf16>,
      %broadcast_in_dim3A_70 = arith.constant 0.000000e+00 : bf16
      %broadcast_in_dim3A_71 = vector.broadcast %broadcast_in_dim3A_70 : bf16 to vector<32xbf16>
      %swap3A_72 = arith.constant 4 : i32
      %swap3A_73 = arith.index_cast %swap3A_72 : i32 to index
      %swap3A_74 = arith.constant 0 : index
      %swap3A_75 = tpu.vector_load %arg10[%swap3A_73, %swap3A_74] {strides = array<i32>} : memref<8x64xbf16, #tpu.memory_space<vmem>>, vector<32xbf16>,
      tpu.vector_store %arg10[%swap3A_73, %swap3A_74], %broadcast_in_dim3A_71 {strides = array<i32>} : memref<8x64xbf16, #tpu.memory_space<vmem>>, vector<32xbf16>,
      %broadcast_in_dim3A_76 = arith.constant 0.000000e+00 : bf16
      %broadcast_in_dim3A_77 = vector.broadcast %broadcast_in_dim3A_76 : bf16 to vector<32xbf16>
      %swap3A_78 = arith.constant 4 : i32
      %swap3A_79 = arith.index_cast %swap3A_78 : i32 to index
      %swap3A_80 = arith.constant 32 : index
      %swap3A_81 = tpu.vector_load %arg10[%swap3A_79, %swap3A_80] {strides = array<i32>} : memref<8x64xbf16, #tpu.memory_space<vmem>>, vector<32xbf16>,
      tpu.vector_store %arg10[%swap3A_79, %swap3A_80], %broadcast_in_dim3A_77 {strides = array<i32>} : memref<8x64xbf16, #tpu.memory_space<vmem>>, vector<32xbf16>,
      %broadcast_in_dim3A_82 = arith.constant 0.000000e+00 : bf16
      %broadcast_in_dim3A_83 = vector.broadcast %broadcast_in_dim3A_82 : bf16 to vector<32xbf16>
      %swap3A_84 = arith.constant 5 : i32
      %swap3A_85 = arith.index_cast %swap3A_84 : i32 to index
      %swap3A_86 = arith.constant 0 : index
      %swap3A_87 = tpu.vector_load %arg10[%swap3A_85, %swap3A_86] {strides = array<i32>} : memref<8x64xbf16, #tpu.memory_space<vmem>>, vector<32xbf16>,
      tpu.vector_store %arg10[%swap3A_85, %swap3A_86], %broadcast_in_dim3A_83 {strides = array<i32>} : memref<8x64xbf16, #tpu.memory_space<vmem>>, vector<32xbf16>,
      %broadcast_in_dim3A_88 = arith.constant 0.000000e+00 : bf16
      %broadcast_in_dim3A_89 = vector.broadcast %broadcast_in_dim3A_88 : bf16 to vector<32xbf16>
      %swap3A_90 = arith.constant 5 : i32
      %swap3A_91 = arith.index_cast %swap3A_90 : i32 to index
      %swap3A_92 = arith.constant 32 : index
      %swap3A_93 = tpu.vector_load %arg10[%swap3A_91, %swap3A_92] {strides = array<i32>} : memref<8x64xbf16, #tpu.memory_space<vmem>>, vector<32xbf16>,
      tpu.vector_store %arg10[%swap3A_91, %swap3A_92], %broadcast_in_dim3A_89 {strides = array<i32>} : memref<8x64xbf16, #tpu.memory_space<vmem>>, vector<32xbf16>,
      %broadcast_in_dim3A_94 = arith.constant 0.000000e+00 : bf16
      %broadcast_in_dim3A_95 = vector.broadcast %broadcast_in_dim3A_94 : bf16 to vector<32xbf16>
      %swap3A_96 = arith.constant 6 : i32
      %swap3A_97 = arith.index_cast %swap3A_96 : i32 to index
      %swap3A_98 = arith.constant 0 : index
      %swap3A_99 = tpu.vector_load %arg10[%swap3A_97, %swap3A_98] {strides = array<i32>} : memref<8x64xbf16, #tpu.memory_space<vmem>>, vector<32xbf16>,
      tpu.vector_store %arg10[%swap3A_97, %swap3A_98], %broadcast_in_dim3A_95 {strides = array<i32>} : memref<8x64xbf16, #tpu.memory_space<vmem>>, vector<32xbf16>,
      %broadcast_in_dim3A_100 = arith.constant 0.000000e+00 : bf16
      %broadcast_in_dim3A_101 = vector.broadcast %broadcast_in_dim3A_100 : bf16 to vector<32xbf16>
      %swap3A_102 = arith.constant 6 : i32
      %swap3A_103 = arith.index_cast %swap3A_102 : i32 to index
      %swap3A_104 = arith.constant 32 : index
      %swap3A_105 = tpu.vector_load %arg10[%swap3A_103, %swap3A_104] {strides = array<i32>} : memref<8x64xbf16, #tpu.memory_space<vmem>>, vector<32xbf16>,
      tpu.vector_store %arg10[%swap3A_103, %swap3A_104], %broadcast_in_dim3A_101 {strides = array<i32>} : memref<8x64xbf16, #tpu.memory_space<vmem>>, vector<32xbf16>,
      %broadcast_in_dim3A_106 = arith.constant 0.000000e+00 : bf16
      %broadcast_in_dim3A_107 = vector.broadcast %broadcast_in_dim3A_106 : bf16 to vector<32xbf16>
      %swap3A_108 = arith.constant 7 : i32
      %swap3A_109 = arith.index_cast %swap3A_108 : i32 to index
      %swap3A_110 = arith.constant 0 : index
      %swap3A_111 = tpu.vector_load %arg10[%swap3A_109, %swap3A_110] {strides = array<i32>} : memref<8x64xbf16, #tpu.memory_space<vmem>>, vector<32xbf16>,
      tpu.vector_store %arg10[%swap3A_109, %swap3A_110], %broadcast_in_dim3A_107 {strides = array<i32>} : memref<8x64xbf16, #tpu.memory_space<vmem>>, vector<32xbf16>,
      %broadcast_in_dim3A_112 = arith.constant 0.000000e+00 : bf16
      %broadcast_in_dim3A_113 = vector.broadcast %broadcast_in_dim3A_112 : bf16 to vector<32xbf16>
      %swap3A_114 = arith.constant 7 : i32
      %swap3A_115 = arith.index_cast %swap3A_114 : i32 to index
      %swap3A_116 = arith.constant 32 : index
      %swap3A_117 = tpu.vector_load %arg10[%swap3A_115, %swap3A_116] {strides = array<i32>} : memref<8x64xbf16, #tpu.memory_space<vmem>>, vector<32xbf16>,
      tpu.vector_store %arg10[%swap3A_115, %swap3A_116], %broadcast_in_dim3A_113 {strides = array<i32>} : memref<8x64xbf16, #tpu.memory_space<vmem>>, vector<32xbf16>,
      "tpu.region"() ({
        %run_scoped3A = tpu.sem_alloc : memref<!tpu.dma_semaphore, #tpu.memory_space<semaphore_mem>>
        %dma_start3A = arith.constant 50176 : i32
        %dma_start3A_118 = arith.constant 0 : i32
        %dma_start3A_119 = tpu.memref_slice %arg13[%dma_start3A, %dma_start3A_118] : memref<50184x64xbf16, #tpu.memory_space<vmem_shared>> -> memref<8x64xbf16, #tpu.memory_space<vmem_shared>>
        %dma_start3A_120 = arith.constant 50176 : i32
        %dma_start3A_121 = arith.constant 0 : i32
        %dma_start3A_122 = tpu.memref_slice %arg13[%dma_start3A_120, %dma_start3A_121] : memref<50184x64xbf16, #tpu.memory_space<vmem_shared>> -> memref<8x64xbf16, #tpu.memory_space<vmem_shared>>
        tpu.enqueue_dma source(%arg10 : memref<8x64xbf16, #tpu.memory_space<vmem>>) target(%dma_start3A_122 : memref<8x64xbf16, #tpu.memory_space<vmem_shared>>) target_semaphore(%run_scoped3A : memref<!tpu.dma_semaphore, #tpu.memory_space<semaphore_mem>>)
        %dma_wait3A = arith.constant 50176 : i32
        %dma_wait3A_123 = arith.constant 0 : i32
        %dma_wait3A_124 = tpu.memref_slice %arg13[%dma_wait3A, %dma_wait3A_123] : memref<50184x64xbf16, #tpu.memory_space<vmem_shared>> -> memref<8x64xbf16, #tpu.memory_space<vmem_shared>>
        %dma_wait3A_125 = arith.constant 50176 : i32
        %dma_wait3A_126 = arith.constant 0 : i32
        %dma_wait3A_127 = tpu.memref_slice %arg13[%dma_wait3A_125, %dma_wait3A_126] : memref<50184x64xbf16, #tpu.memory_space<vmem_shared>> -> memref<8x64xbf16, #tpu.memory_space<vmem_shared>>
        tpu.wait_dma2 semaphore(%run_scoped3A : memref<!tpu.dma_semaphore, #tpu.memory_space<semaphore_mem>>) src(%arg10 : memref<8x64xbf16, #tpu.memory_space<vmem>>) dst(%dma_wait3A_127 : memref<8x64xbf16, #tpu.memory_space<vmem_shared>>)
        tpu.yield
      }) : () -> ()
    } else {
    }
    %iota3A = tpu.iota {dimensions = array<i32: 0>} : vector<16xi32>
    %eq3A_5 = arith.constant 0 : i32
    %eq3A_6 = arith.cmpi eq, %arg1, %eq3A_5 : i32
    %convert_element_type3A_7 = arith.extui %eq3A_6 : i1 to i32
    %cond3A_8 = arith.constant 0 : i32
    %cond3A_9 = arith.cmpi ne, %convert_element_type3A_7, %cond3A_8 : i32
    scf.if %cond3A_9 {
      %eq3A_14 = arith.constant 0 : i32
      %eq3A_15 = arith.cmpi eq, %arg0, %eq3A_14 : i32
      %convert_element_type3A_16 = arith.extui %eq3A_15 : i1 to i32
      %cond3A_17 = arith.constant 0 : i32
      %cond3A_18 = arith.cmpi ne, %convert_element_type3A_16, %cond3A_17 : i32
      scf.if %cond3A_18 {
        %dma_wait3A = arith.constant 0 : i32
        %dma_wait3A_24 = arith.constant 0 : i32
        %dma_wait3A_25 = tpu.memref_slice %arg13[%dma_wait3A, %dma_wait3A_24] : memref<50184x64xbf16, #tpu.memory_space<vmem_shared>> -> memref<50176x64xbf16, #tpu.memory_space<vmem_shared>>
        %dma_wait3A_26 = arith.constant 0 : i32
        %dma_wait3A_27 = arith.constant 0 : i32
        %dma_wait3A_28 = tpu.memref_slice %arg2[%dma_wait3A_26, %dma_wait3A_27] : memref<100000x64xbf16, #tpu.memory_space<hbm>> -> memref<50176x64xbf16, #tpu.memory_space<hbm>>
        tpu.wait_dma2 semaphore(%arg16 : memref<!tpu.dma_semaphore, #tpu.memory_space<semaphore_mem>>) src(%dma_wait3A_28 : memref<50176x64xbf16, #tpu.memory_space<hbm>>) dst(%dma_wait3A_25 : memref<50176x64xbf16, #tpu.memory_space<vmem_shared>>)
      } else {
      }
      %eq3A_19 = arith.constant 1 : i32
      %eq3A_20 = arith.cmpi eq, %arg0, %eq3A_19 : i32
      %convert_element_type3A_21 = arith.extui %eq3A_20 : i1 to i32
      %cond3A_22 = arith.constant 0 : i32
      %cond3A_23 = arith.cmpi ne, %convert_element_type3A_21, %cond3A_22 : i32
      scf.if %cond3A_23 {
        %dma_wait3A = arith.constant 0 : i32
        %dma_wait3A_24 = arith.constant 0 : i32
        %dma_wait3A_25 = tpu.memref_slice %arg13[%dma_wait3A, %dma_wait3A_24] : memref<50184x64xbf16, #tpu.memory_space<vmem_shared>> -> memref<49824x64xbf16, #tpu.memory_space<vmem_shared>>
        %dma_wait3A_26 = arith.constant 50176 : i32
        %dma_wait3A_27 = arith.constant 0 : i32
        %dma_wait3A_28 = tpu.memref_slice %arg2[%dma_wait3A_26, %dma_wait3A_27] : memref<100000x64xbf16, #tpu.memory_space<hbm>> -> memref<49824x64xbf16, #tpu.memory_space<hbm>>
        tpu.wait_dma2 semaphore(%arg16 : memref<!tpu.dma_semaphore, #tpu.memory_space<semaphore_mem>>) src(%dma_wait3A_28 : memref<49824x64xbf16, #tpu.memory_space<hbm>>) dst(%dma_wait3A_25 : memref<49824x64xbf16, #tpu.memory_space<vmem_shared>>)
      } else {
      }
    } else {
    }
    %barrier3A = arith.constant 0 : index
    tpu.barrier barrier_id(%barrier3A)
    %scan3A = arith.constant 0 : i32
    %scan3A_10 = arith.constant 8 : i32
    %scan3A_11 = arith.addi %scan3A, %scan3A_10 : i32
    %scan3A_12 = arith.constant 1 : i32
    scf.for %scan3A_14 = %scan3A to %scan3A_11 step %scan3A_12  : i32 {
      %mul3A_15 = arith.constant 1 : i32
      %mul3A_16 = arith.muli %scan3A_14, %mul3A_15 : i32
      %add3A = arith.constant 0 : i32
      %add3A_17 = arith.addi %add3A, %mul3A_16 : i32
      %mul3A_18 = arith.constant 32 : i32
      %mul3A_19 = arith.muli %add3A_17, %mul3A_18 : i32
      %mul3A_20 = arith.constant 200 : i32
      %mul3A_21 = arith.muli %mul3A_19, %mul3A_20 : i32
      %add3A_22 = arith.addi %mul3A_0, %mul3A_21 : i32
      "tpu.region"() ({
        %run_scoped3A = tpu.sem_alloc : memref<!tpu.dma_semaphore, #tpu.memory_space<semaphore_mem>>
        %dma_start3A_66 = arith.constant 0 : i32
        %dma_start3A_67 = tpu.memref_slice %arg6[%dma_start3A_66] : memref<6416xi32, #tpu.memory_space<vmem>> -> memref<6400xi32, #tpu.memory_space<vmem>>
        %dma_start3A_68 = tpu.memref_slice %arg3[%add3A_22] : memref<819200xi32, #tpu.memory_space<hbm>> -> memref<6400xi32, #tpu.memory_space<hbm>>
        %dma_start3A_69 = arith.constant 0 : i32
        %dma_start3A_70 = tpu.memref_slice %arg6[%dma_start3A_69] : memref<6416xi32, #tpu.memory_space<vmem>> -> memref<6400xi32, #tpu.memory_space<vmem>>
        %dma_start3A_71 = tpu.memref_slice %arg3[%add3A_22] : memref<819200xi32, #tpu.memory_space<hbm>> -> memref<6400xi32, #tpu.memory_space<hbm>>
        tpu.enqueue_dma source(%dma_start3A_71 : memref<6400xi32, #tpu.memory_space<hbm>>) target(%dma_start3A_70 : memref<6400xi32, #tpu.memory_space<vmem>>) target_semaphore(%run_scoped3A : memref<!tpu.dma_semaphore, #tpu.memory_space<semaphore_mem>>)
        %dma_wait3A = arith.constant 0 : i32
        %dma_wait3A_72 = tpu.memref_slice %arg6[%dma_wait3A] : memref<6416xi32, #tpu.memory_space<vmem>> -> memref<6400xi32, #tpu.memory_space<vmem>>
        %dma_wait3A_73 = tpu.memref_slice %arg3[%add3A_22] : memref<819200xi32, #tpu.memory_space<hbm>> -> memref<6400xi32, #tpu.memory_space<hbm>>
        %dma_wait3A_74 = arith.constant 0 : i32
        %dma_wait3A_75 = tpu.memref_slice %arg6[%dma_wait3A_74] : memref<6416xi32, #tpu.memory_space<vmem>> -> memref<6400xi32, #tpu.memory_space<vmem>>
        %dma_wait3A_76 = tpu.memref_slice %arg3[%add3A_22] : memref<819200xi32, #tpu.memory_space<hbm>> -> memref<6400xi32, #tpu.memory_space<hbm>>
        tpu.wait_dma2 semaphore(%run_scoped3A : memref<!tpu.dma_semaphore, #tpu.memory_space<semaphore_mem>>) src(%dma_wait3A_76 : memref<6400xi32, #tpu.memory_space<hbm>>) dst(%dma_wait3A_75 : memref<6400xi32, #tpu.memory_space<vmem>>)
        tpu.yield
      }) : () -> ()
      %scan3A_23 = arith.constant 0 : i32
      %scan3A_24 = arith.constant 2 : i32
      %scan3A_25 = arith.addi %scan3A_23, %scan3A_24 : i32
      %scan3A_26 = arith.constant 1 : i32
      scf.for %scan3A_66 = %scan3A_23 to %scan3A_25 step %scan3A_26  : i32 {
        %mul3A_67 = arith.constant 1 : i32
        %mul3A_68 = arith.muli %scan3A_66, %mul3A_67 : i32
        %add3A_69 = arith.constant 0 : i32
        %add3A_70 = arith.addi %add3A_69, %mul3A_68 : i32
        %mul3A_71 = arith.constant 16 : i32
        %mul3A_72 = arith.muli %add3A_70, %mul3A_71 : i32
        %mul3A_73 = arith.constant 200 : i32
        %mul3A_74 = arith.muli %mul3A_72, %mul3A_73 : i32
        %add3A_75 = arith.addi %add3A_22, %mul3A_74 : i32
        "tpu.region"() ({
          %run_scoped3A = tpu.sem_alloc : memref<!tpu.dma_semaphore, #tpu.memory_space<semaphore_mem>>
          %dma_start3A_81 = tpu.memref_slice %arg4[%add3A_75] : memref<819200xi32, #tpu.memory_space<hbm>> -> memref<3200xi32, #tpu.memory_space<hbm>>
          %dma_start3A_82 = tpu.memref_slice %arg4[%add3A_75] : memref<819200xi32, #tpu.memory_space<hbm>> -> memref<3200xi32, #tpu.memory_space<hbm>>
          tpu.enqueue_dma source(%dma_start3A_82 : memref<3200xi32, #tpu.memory_space<hbm>>) target(%arg7 : memref<3200xi32, #tpu.memory_space<vmem>>) target_semaphore(%run_scoped3A : memref<!tpu.dma_semaphore, #tpu.memory_space<semaphore_mem>>)
          %dma_wait3A = tpu.memref_slice %arg4[%add3A_75] : memref<819200xi32, #tpu.memory_space<hbm>> -> memref<3200xi32, #tpu.memory_space<hbm>>
          %dma_wait3A_83 = tpu.memref_slice %arg4[%add3A_75] : memref<819200xi32, #tpu.memory_space<hbm>> -> memref<3200xi32, #tpu.memory_space<hbm>>
          tpu.wait_dma2 semaphore(%run_scoped3A : memref<!tpu.dma_semaphore, #tpu.memory_space<semaphore_mem>>) src(%dma_wait3A_83 : memref<3200xi32, #tpu.memory_space<hbm>>) dst(%arg7 : memref<3200xi32, #tpu.memory_space<vmem>>)
          tpu.yield
        }) : () -> ()
        %scan3A_76 = arith.constant 0 : i32
        %scan3A_77 = arith.constant 200 : i32
        %scan3A_78 = arith.addi %scan3A_76, %scan3A_77 : i32
        %scan3A_79 = arith.constant 8 : i32
        scf.for %scan3A_81 = %scan3A_76 to %scan3A_78 step %scan3A_79  : i32 {
          %mul3A_82 = arith.constant 1 : i32
          %mul3A_83 = arith.muli %scan3A_81, %mul3A_82 : i32
          %add3A_84 = arith.constant 0 : i32
          %add3A_85 = arith.addi %add3A_84, %mul3A_83 : i32
          %mul3A_86 = arith.constant 16 : i32
          %mul3A_87 = arith.muli %add3A_85, %mul3A_86 : i32
          %get3A_88 = arith.index_cast %mul3A_87 : i32 to index
          %get3A_89 = tpu.vector_load %arg7[%get3A_88] {strides = array<i32>} : memref<3200xi32, #tpu.memory_space<vmem>>, vector<16xi32>,
          %add3A_90 = arith.addi %mul3A_74, %mul3A_87 : i32
          %get3A_91 = arith.index_cast %add3A_90 : i32 to index
          %get3A_92 = tpu.vector_load %arg6[%get3A_91] {strides = array<i32>} : memref<6416xi32, #tpu.memory_space<vmem>>, vector<16xi32>,
          %sub3A = vector.broadcast %mul3A_2 : i32 to vector<16xi32>
          %sub3A_93 = arith.subi %get3A_92, %sub3A : vector<16xi32>
          %gt3A_94 = arith.constant 0 : i32
          %gt3A_95 = vector.broadcast %gt3A_94 : i32 to vector<16xi32>
          %gt3A_96 = arith.cmpi sgt, %get3A_89, %gt3A_95 : vector<16xi32>
          %ge3A = arith.constant 0 : i32
          %ge3A_97 = vector.broadcast %ge3A : i32 to vector<16xi32>
          %ge3A_98 = arith.cmpi sge, %sub3A_93, %ge3A_97 : vector<16xi32>
          %and3A = arith.andi %gt3A_96, %ge3A_98 : vector<16xi1>
          %lt3A = arith.constant 50176 : i32
          %lt3A_99 = vector.broadcast %lt3A : i32 to vector<16xi32>
          %lt3A_100 = arith.cmpi slt, %sub3A_93, %lt3A_99 : vector<16xi32>
          %and3A_101 = arith.andi %and3A, %lt3A_100 : vector<16xi1>
          %broadcast_in_dim3A = arith.constant 50176 : i32
          %broadcast_in_dim3A_102 = vector.broadcast %broadcast_in_dim3A : i32 to vector<16xi32>
          %select_n3A = arith.select %and3A_101, %sub3A_93, %broadcast_in_dim3A_102 : vector<16xi1>, vector<16xi32>
          %add3A_103 = arith.addi %mul3A_74, %mul3A_87 : i32
          %swap3A = arith.index_cast %add3A_103 : i32 to index
          %swap3A_104 = tpu.vector_load %arg6[%swap3A] {strides = array<i32>} : memref<6416xi32, #tpu.memory_space<vmem>>, vector<16xi32>,
          tpu.vector_store %arg6[%swap3A], %select_n3A {strides = array<i32>} : memref<6416xi32, #tpu.memory_space<vmem>>, vector<16xi32>,
          %scan3A_105 = arith.constant 1 : i32
          %scan3A_106 = arith.addi %scan3A_81, %scan3A_105 : i32
          %mul3A_107 = arith.constant 1 : i32
          %mul3A_108 = arith.muli %scan3A_106, %mul3A_107 : i32
          %add3A_109 = arith.constant 0 : i32
          %add3A_110 = arith.addi %add3A_109, %mul3A_108 : i32
          %mul3A_111 = arith.constant 16 : i32
          %mul3A_112 = arith.muli %add3A_110, %mul3A_111 : i32
          %get3A_113 = arith.index_cast %mul3A_112 : i32 to index
          %get3A_114 = tpu.vector_load %arg7[%get3A_113] {strides = array<i32>} : memref<3200xi32, #tpu.memory_space<vmem>>, vector<16xi32>,
          %add3A_115 = arith.addi %mul3A_74, %mul3A_112 : i32
          %get3A_116 = arith.index_cast %add3A_115 : i32 to index
          %get3A_117 = tpu.vector_load %arg6[%get3A_116] {strides = array<i32>} : memref<6416xi32, #tpu.memory_space<vmem>>, vector<16xi32>,
          %sub3A_118 = vector.broadcast %mul3A_2 : i32 to vector<16xi32>
          %sub3A_119 = arith.subi %get3A_117, %sub3A_118 : vector<16xi32>
          %gt3A_120 = arith.constant 0 : i32
          %gt3A_121 = vector.broadcast %gt3A_120 : i32 to vector<16xi32>
          %gt3A_122 = arith.cmpi sgt, %get3A_114, %gt3A_121 : vector<16xi32>
          %ge3A_123 = arith.constant 0 : i32
          %ge3A_124 = vector.broadcast %ge3A_123 : i32 to vector<16xi32>
          %ge3A_125 = arith.cmpi sge, %sub3A_119, %ge3A_124 : vector<16xi32>
          %and3A_126 = arith.andi %gt3A_122, %ge3A_125 : vector<16xi1>
          %lt3A_127 = arith.constant 50176 : i32
          %lt3A_128 = vector.broadcast %lt3A_127 : i32 to vector<16xi32>
          %lt3A_129 = arith.cmpi slt, %sub3A_119, %lt3A_128 : vector<16xi32>
          %and3A_130 = arith.andi %and3A_126, %lt3A_129 : vector<16xi1>
          %broadcast_in_dim3A_131 = arith.constant 50176 : i32
          %broadcast_in_dim3A_132 = vector.broadcast %broadcast_in_dim3A_131 : i32 to vector<16xi32>
          %select_n3A_133 = arith.select %and3A_130, %sub3A_119, %broadcast_in_dim3A_132 : vector<16xi1>, vector<16xi32>
          %add3A_134 = arith.addi %mul3A_74, %mul3A_112 : i32
          %swap3A_135 = arith.index_cast %add3A_134 : i32 to index
          %swap3A_136 = tpu.vector_load %arg6[%swap3A_135] {strides = array<i32>} : memref<6416xi32, #tpu.memory_space<vmem>>, vector<16xi32>,
          tpu.vector_store %arg6[%swap3A_135], %select_n3A_133 {strides = array<i32>} : memref<6416xi32, #tpu.memory_space<vmem>>, vector<16xi32>,
          %scan3A_137 = arith.constant 2 : i32
          %scan3A_138 = arith.addi %scan3A_81, %scan3A_137 : i32
          %mul3A_139 = arith.constant 1 : i32
          %mul3A_140 = arith.muli %scan3A_138, %mul3A_139 : i32
          %add3A_141 = arith.constant 0 : i32
          %add3A_142 = arith.addi %add3A_141, %mul3A_140 : i32
          %mul3A_143 = arith.constant 16 : i32
          %mul3A_144 = arith.muli %add3A_142, %mul3A_143 : i32
          %get3A_145 = arith.index_cast %mul3A_144 : i32 to index
          %get3A_146 = tpu.vector_load %arg7[%get3A_145] {strides = array<i32>} : memref<3200xi32, #tpu.memory_space<vmem>>, vector<16xi32>,
          %add3A_147 = arith.addi %mul3A_74, %mul3A_144 : i32
          %get3A_148 = arith.index_cast %add3A_147 : i32 to index
          %get3A_149 = tpu.vector_load %arg6[%get3A_148] {strides = array<i32>} : memref<6416xi32, #tpu.memory_space<vmem>>, vector<16xi32>,
          %sub3A_150 = vector.broadcast %mul3A_2 : i32 to vector<16xi32>
          %sub3A_151 = arith.subi %get3A_149, %sub3A_150 : vector<16xi32>
          %gt3A_152 = arith.constant 0 : i32
          %gt3A_153 = vector.broadcast %gt3A_152 : i32 to vector<16xi32>
          %gt3A_154 = arith.cmpi sgt, %get3A_146, %gt3A_153 : vector<16xi32>
          %ge3A_155 = arith.constant 0 : i32
          %ge3A_156 = vector.broadcast %ge3A_155 : i32 to vector<16xi32>
          %ge3A_157 = arith.cmpi sge, %sub3A_151, %ge3A_156 : vector<16xi32>
          %and3A_158 = arith.andi %gt3A_154, %ge3A_157 : vector<16xi1>
          %lt3A_159 = arith.constant 50176 : i32
          %lt3A_160 = vector.broadcast %lt3A_159 : i32 to vector<16xi32>
          %lt3A_161 = arith.cmpi slt, %sub3A_151, %lt3A_160 : vector<16xi32>
          %and3A_162 = arith.andi %and3A_158, %lt3A_161 : vector<16xi1>
          %broadcast_in_dim3A_163 = arith.constant 50176 : i32
          %broadcast_in_dim3A_164 = vector.broadcast %broadcast_in_dim3A_163 : i32 to vector<16xi32>
          %select_n3A_165 = arith.select %and3A_162, %sub3A_151, %broadcast_in_dim3A_164 : vector<16xi1>, vector<16xi32>
          %add3A_166 = arith.addi %mul3A_74, %mul3A_144 : i32
          %swap3A_167 = arith.index_cast %add3A_166 : i32 to index
          %swap3A_168 = tpu.vector_load %arg6[%swap3A_167] {strides = array<i32>} : memref<6416xi32, #tpu.memory_space<vmem>>, vector<16xi32>,
          tpu.vector_store %arg6[%swap3A_167], %select_n3A_165 {strides = array<i32>} : memref<6416xi32, #tpu.memory_space<vmem>>, vector<16xi32>,
          %scan3A_169 = arith.constant 3 : i32
          %scan3A_170 = arith.addi %scan3A_81, %scan3A_169 : i32
          %mul3A_171 = arith.constant 1 : i32
          %mul3A_172 = arith.muli %scan3A_170, %mul3A_171 : i32
          %add3A_173 = arith.constant 0 : i32
          %add3A_174 = arith.addi %add3A_173, %mul3A_172 : i32
          %mul3A_175 = arith.constant 16 : i32
          %mul3A_176 = arith.muli %add3A_174, %mul3A_175 : i32
          %get3A_177 = arith.index_cast %mul3A_176 : i32 to index
          %get3A_178 = tpu.vector_load %arg7[%get3A_177] {strides = array<i32>} : memref<3200xi32, #tpu.memory_space<vmem>>, vector<16xi32>,
          %add3A_179 = arith.addi %mul3A_74, %mul3A_176 : i32
          %get3A_180 = arith.index_cast %add3A_179 : i32 to index
          %get3A_181 = tpu.vector_load %arg6[%get3A_180] {strides = array<i32>} : memref<6416xi32, #tpu.memory_space<vmem>>, vector<16xi32>,
          %sub3A_182 = vector.broadcast %mul3A_2 : i32 to vector<16xi32>
          %sub3A_183 = arith.subi %get3A_181, %sub3A_182 : vector<16xi32>
          %gt3A_184 = arith.constant 0 : i32
          %gt3A_185 = vector.broadcast %gt3A_184 : i32 to vector<16xi32>
          %gt3A_186 = arith.cmpi sgt, %get3A_178, %gt3A_185 : vector<16xi32>
          %ge3A_187 = arith.constant 0 : i32
          %ge3A_188 = vector.broadcast %ge3A_187 : i32 to vector<16xi32>
          %ge3A_189 = arith.cmpi sge, %sub3A_183, %ge3A_188 : vector<16xi32>
          %and3A_190 = arith.andi %gt3A_186, %ge3A_189 : vector<16xi1>
          %lt3A_191 = arith.constant 50176 : i32
          %lt3A_192 = vector.broadcast %lt3A_191 : i32 to vector<16xi32>
          %lt3A_193 = arith.cmpi slt, %sub3A_183, %lt3A_192 : vector<16xi32>
          %and3A_194 = arith.andi %and3A_190, %lt3A_193 : vector<16xi1>
          %broadcast_in_dim3A_195 = arith.constant 50176 : i32
          %broadcast_in_dim3A_196 = vector.broadcast %broadcast_in_dim3A_195 : i32 to vector<16xi32>
          %select_n3A_197 = arith.select %and3A_194, %sub3A_183, %broadcast_in_dim3A_196 : vector<16xi1>, vector<16xi32>
          %add3A_198 = arith.addi %mul3A_74, %mul3A_176 : i32
          %swap3A_199 = arith.index_cast %add3A_198 : i32 to index
          %swap3A_200 = tpu.vector_load %arg6[%swap3A_199] {strides = array<i32>} : memref<6416xi32, #tpu.memory_space<vmem>>, vector<16xi32>,
          tpu.vector_store %arg6[%swap3A_199], %select_n3A_197 {strides = array<i32>} : memref<6416xi32, #tpu.memory_space<vmem>>, vector<16xi32>,
          %scan3A_201 = arith.constant 4 : i32
          %scan3A_202 = arith.addi %scan3A_81, %scan3A_201 : i32
          %mul3A_203 = arith.constant 1 : i32
          %mul3A_204 = arith.muli %scan3A_202, %mul3A_203 : i32
          %add3A_205 = arith.constant 0 : i32
          %add3A_206 = arith.addi %add3A_205, %mul3A_204 : i32
          %mul3A_207 = arith.constant 16 : i32
          %mul3A_208 = arith.muli %add3A_206, %mul3A_207 : i32
          %get3A_209 = arith.index_cast %mul3A_208 : i32 to index
          %get3A_210 = tpu.vector_load %arg7[%get3A_209] {strides = array<i32>} : memref<3200xi32, #tpu.memory_space<vmem>>, vector<16xi32>,
          %add3A_211 = arith.addi %mul3A_74, %mul3A_208 : i32
          %get3A_212 = arith.index_cast %add3A_211 : i32 to index
          %get3A_213 = tpu.vector_load %arg6[%get3A_212] {strides = array<i32>} : memref<6416xi32, #tpu.memory_space<vmem>>, vector<16xi32>,
          %sub3A_214 = vector.broadcast %mul3A_2 : i32 to vector<16xi32>
          %sub3A_215 = arith.subi %get3A_213, %sub3A_214 : vector<16xi32>
          %gt3A_216 = arith.constant 0 : i32
          %gt3A_217 = vector.broadcast %gt3A_216 : i32 to vector<16xi32>
          %gt3A_218 = arith.cmpi sgt, %get3A_210, %gt3A_217 : vector<16xi32>
          %ge3A_219 = arith.constant 0 : i32
          %ge3A_220 = vector.broadcast %ge3A_219 : i32 to vector<16xi32>
          %ge3A_221 = arith.cmpi sge, %sub3A_215, %ge3A_220 : vector<16xi32>
          %and3A_222 = arith.andi %gt3A_218, %ge3A_221 : vector<16xi1>
          %lt3A_223 = arith.constant 50176 : i32
          %lt3A_224 = vector.broadcast %lt3A_223 : i32 to vector<16xi32>
          %lt3A_225 = arith.cmpi slt, %sub3A_215, %lt3A_224 : vector<16xi32>
          %and3A_226 = arith.andi %and3A_222, %lt3A_225 : vector<16xi1>
          %broadcast_in_dim3A_227 = arith.constant 50176 : i32
          %broadcast_in_dim3A_228 = vector.broadcast %broadcast_in_dim3A_227 : i32 to vector<16xi32>
          %select_n3A_229 = arith.select %and3A_226, %sub3A_215, %broadcast_in_dim3A_228 : vector<16xi1>, vector<16xi32>
          %add3A_230 = arith.addi %mul3A_74, %mul3A_208 : i32
          %swap3A_231 = arith.index_cast %add3A_230 : i32 to index
          %swap3A_232 = tpu.vector_load %arg6[%swap3A_231] {strides = array<i32>} : memref<6416xi32, #tpu.memory_space<vmem>>, vector<16xi32>,
          tpu.vector_store %arg6[%swap3A_231], %select_n3A_229 {strides = array<i32>} : memref<6416xi32, #tpu.memory_space<vmem>>, vector<16xi32>,
          %scan3A_233 = arith.constant 5 : i32
          %scan3A_234 = arith.addi %scan3A_81, %scan3A_233 : i32
          %mul3A_235 = arith.constant 1 : i32
          %mul3A_236 = arith.muli %scan3A_234, %mul3A_235 : i32
          %add3A_237 = arith.constant 0 : i32
          %add3A_238 = arith.addi %add3A_237, %mul3A_236 : i32
          %mul3A_239 = arith.constant 16 : i32
          %mul3A_240 = arith.muli %add3A_238, %mul3A_239 : i32
          %get3A_241 = arith.index_cast %mul3A_240 : i32 to index
          %get3A_242 = tpu.vector_load %arg7[%get3A_241] {strides = array<i32>} : memref<3200xi32, #tpu.memory_space<vmem>>, vector<16xi32>,
          %add3A_243 = arith.addi %mul3A_74, %mul3A_240 : i32
          %get3A_244 = arith.index_cast %add3A_243 : i32 to index
          %get3A_245 = tpu.vector_load %arg6[%get3A_244] {strides = array<i32>} : memref<6416xi32, #tpu.memory_space<vmem>>, vector<16xi32>,
          %sub3A_246 = vector.broadcast %mul3A_2 : i32 to vector<16xi32>
          %sub3A_247 = arith.subi %get3A_245, %sub3A_246 : vector<16xi32>
          %gt3A_248 = arith.constant 0 : i32
          %gt3A_249 = vector.broadcast %gt3A_248 : i32 to vector<16xi32>
          %gt3A_250 = arith.cmpi sgt, %get3A_242, %gt3A_249 : vector<16xi32>
          %ge3A_251 = arith.constant 0 : i32
          %ge3A_252 = vector.broadcast %ge3A_251 : i32 to vector<16xi32>
          %ge3A_253 = arith.cmpi sge, %sub3A_247, %ge3A_252 : vector<16xi32>
          %and3A_254 = arith.andi %gt3A_250, %ge3A_253 : vector<16xi1>
          %lt3A_255 = arith.constant 50176 : i32
          %lt3A_256 = vector.broadcast %lt3A_255 : i32 to vector<16xi32>
          %lt3A_257 = arith.cmpi slt, %sub3A_247, %lt3A_256 : vector<16xi32>
          %and3A_258 = arith.andi %and3A_254, %lt3A_257 : vector<16xi1>
          %broadcast_in_dim3A_259 = arith.constant 50176 : i32
          %broadcast_in_dim3A_260 = vector.broadcast %broadcast_in_dim3A_259 : i32 to vector<16xi32>
          %select_n3A_261 = arith.select %and3A_258, %sub3A_247, %broadcast_in_dim3A_260 : vector<16xi1>, vector<16xi32>
          %add3A_262 = arith.addi %mul3A_74, %mul3A_240 : i32
          %swap3A_263 = arith.index_cast %add3A_262 : i32 to index
          %swap3A_264 = tpu.vector_load %arg6[%swap3A_263] {strides = array<i32>} : memref<6416xi32, #tpu.memory_space<vmem>>, vector<16xi32>,
          tpu.vector_store %arg6[%swap3A_263], %select_n3A_261 {strides = array<i32>} : memref<6416xi32, #tpu.memory_space<vmem>>, vector<16xi32>,
          %scan3A_265 = arith.constant 6 : i32
          %scan3A_266 = arith.addi %scan3A_81, %scan3A_265 : i32
          %mul3A_267 = arith.constant 1 : i32
          %mul3A_268 = arith.muli %scan3A_266, %mul3A_267 : i32
          %add3A_269 = arith.constant 0 : i32
          %add3A_270 = arith.addi %add3A_269, %mul3A_268 : i32
          %mul3A_271 = arith.constant 16 : i32
          %mul3A_272 = arith.muli %add3A_270, %mul3A_271 : i32
          %get3A_273 = arith.index_cast %mul3A_272 : i32 to index
          %get3A_274 = tpu.vector_load %arg7[%get3A_273] {strides = array<i32>} : memref<3200xi32, #tpu.memory_space<vmem>>, vector<16xi32>,
          %add3A_275 = arith.addi %mul3A_74, %mul3A_272 : i32
          %get3A_276 = arith.index_cast %add3A_275 : i32 to index
          %get3A_277 = tpu.vector_load %arg6[%get3A_276] {strides = array<i32>} : memref<6416xi32, #tpu.memory_space<vmem>>, vector<16xi32>,
          %sub3A_278 = vector.broadcast %mul3A_2 : i32 to vector<16xi32>
          %sub3A_279 = arith.subi %get3A_277, %sub3A_278 : vector<16xi32>
          %gt3A_280 = arith.constant 0 : i32
          %gt3A_281 = vector.broadcast %gt3A_280 : i32 to vector<16xi32>
          %gt3A_282 = arith.cmpi sgt, %get3A_274, %gt3A_281 : vector<16xi32>
          %ge3A_283 = arith.constant 0 : i32
          %ge3A_284 = vector.broadcast %ge3A_283 : i32 to vector<16xi32>
          %ge3A_285 = arith.cmpi sge, %sub3A_279, %ge3A_284 : vector<16xi32>
          %and3A_286 = arith.andi %gt3A_282, %ge3A_285 : vector<16xi1>
          %lt3A_287 = arith.constant 50176 : i32
          %lt3A_288 = vector.broadcast %lt3A_287 : i32 to vector<16xi32>
          %lt3A_289 = arith.cmpi slt, %sub3A_279, %lt3A_288 : vector<16xi32>
          %and3A_290 = arith.andi %and3A_286, %lt3A_289 : vector<16xi1>
          %broadcast_in_dim3A_291 = arith.constant 50176 : i32
          %broadcast_in_dim3A_292 = vector.broadcast %broadcast_in_dim3A_291 : i32 to vector<16xi32>
          %select_n3A_293 = arith.select %and3A_290, %sub3A_279, %broadcast_in_dim3A_292 : vector<16xi1>, vector<16xi32>
          %add3A_294 = arith.addi %mul3A_74, %mul3A_272 : i32
          %swap3A_295 = arith.index_cast %add3A_294 : i32 to index
          %swap3A_296 = tpu.vector_load %arg6[%swap3A_295] {strides = array<i32>} : memref<6416xi32, #tpu.memory_space<vmem>>, vector<16xi32>,
          tpu.vector_store %arg6[%swap3A_295], %select_n3A_293 {strides = array<i32>} : memref<6416xi32, #tpu.memory_space<vmem>>, vector<16xi32>,
          %scan3A_297 = arith.constant 7 : i32
          %scan3A_298 = arith.addi %scan3A_81, %scan3A_297 : i32
          %mul3A_299 = arith.constant 1 : i32
          %mul3A_300 = arith.muli %scan3A_298, %mul3A_299 : i32
          %add3A_301 = arith.constant 0 : i32
          %add3A_302 = arith.addi %add3A_301, %mul3A_300 : i32
          %mul3A_303 = arith.constant 16 : i32
          %mul3A_304 = arith.muli %add3A_302, %mul3A_303 : i32
          %get3A_305 = arith.index_cast %mul3A_304 : i32 to index
          %get3A_306 = tpu.vector_load %arg7[%get3A_305] {strides = array<i32>} : memref<3200xi32, #tpu.memory_space<vmem>>, vector<16xi32>,
          %add3A_307 = arith.addi %mul3A_74, %mul3A_304 : i32
          %get3A_308 = arith.index_cast %add3A_307 : i32 to index
          %get3A_309 = tpu.vector_load %arg6[%get3A_308] {strides = array<i32>} : memref<6416xi32, #tpu.memory_space<vmem>>, vector<16xi32>,
          %sub3A_310 = vector.broadcast %mul3A_2 : i32 to vector<16xi32>
          %sub3A_311 = arith.subi %get3A_309, %sub3A_310 : vector<16xi32>
          %gt3A_312 = arith.constant 0 : i32
          %gt3A_313 = vector.broadcast %gt3A_312 : i32 to vector<16xi32>
          %gt3A_314 = arith.cmpi sgt, %get3A_306, %gt3A_313 : vector<16xi32>
          %ge3A_315 = arith.constant 0 : i32
          %ge3A_316 = vector.broadcast %ge3A_315 : i32 to vector<16xi32>
          %ge3A_317 = arith.cmpi sge, %sub3A_311, %ge3A_316 : vector<16xi32>
          %and3A_318 = arith.andi %gt3A_314, %ge3A_317 : vector<16xi1>
          %lt3A_319 = arith.constant 50176 : i32
          %lt3A_320 = vector.broadcast %lt3A_319 : i32 to vector<16xi32>
          %lt3A_321 = arith.cmpi slt, %sub3A_311, %lt3A_320 : vector<16xi32>
          %and3A_322 = arith.andi %and3A_318, %lt3A_321 : vector<16xi1>
          %broadcast_in_dim3A_323 = arith.constant 50176 : i32
          %broadcast_in_dim3A_324 = vector.broadcast %broadcast_in_dim3A_323 : i32 to vector<16xi32>
          %select_n3A_325 = arith.select %and3A_322, %sub3A_311, %broadcast_in_dim3A_324 : vector<16xi1>, vector<16xi32>
          %add3A_326 = arith.addi %mul3A_74, %mul3A_304 : i32
          %swap3A_327 = arith.index_cast %add3A_326 : i32 to index
          %swap3A_328 = tpu.vector_load %arg6[%swap3A_327] {strides = array<i32>} : memref<6416xi32, #tpu.memory_space<vmem>>, vector<16xi32>,
          tpu.vector_store %arg6[%swap3A_327], %select_n3A_325 {strides = array<i32>} : memref<6416xi32, #tpu.memory_space<vmem>>, vector<16xi32>,
        }
        %scan3A_80 = arith.constant 200 : i32
      }
      %scan3A_27 = arith.constant 2 : i32
      %scan3A_28 = arith.constant 0 : i32
      %scan3A_29 = arith.constant 32 : i32
      %scan3A_30 = arith.addi %scan3A_28, %scan3A_29 : i32
      %scan3A_31 = arith.constant 1 : i32
      scf.for %scan3A_66 = %scan3A_28 to %scan3A_30 step %scan3A_31  : i32 {
        %mul3A_67 = arith.constant 1 : i32
        %mul3A_68 = arith.muli %scan3A_66, %mul3A_67 : i32
        %add3A_69 = arith.constant 0 : i32
        %add3A_70 = arith.addi %add3A_69, %mul3A_68 : i32
        %mul3A_71 = arith.constant 200 : i32
        %mul3A_72 = arith.muli %add3A_70, %mul3A_71 : i32
        %scan3A_73 = arith.constant 0 : i32
        %scan3A_74 = arith.constant 0 : i32
        %scan3A_75 = arith.constant 13 : i32
        %scan3A_76 = arith.addi %scan3A_74, %scan3A_75 : i32
        %scan3A_77 = arith.constant 1 : i32
        %scan3A_78 = scf.for %scan3A_81 = %scan3A_74 to %scan3A_76 step %scan3A_77 iter_args(%scan3A_82 = %scan3A_73) -> (i32)  : i32 {
          %mul3A_83 = arith.constant 16 : i32
          %mul3A_84 = arith.muli %scan3A_81, %mul3A_83 : i32
          %add3A_85 = arith.addi %mul3A_72, %mul3A_84 : i32
          %get3A_86 = arith.index_cast %add3A_85 : i32 to index
          %get3A_87 = tpu.vector_load %arg6[%get3A_86] {strides = array<i32>} : memref<6416xi32, #tpu.memory_space<vmem>>, vector<16xi32>,
          %lt3A = arith.constant 50176 : i32
          %lt3A_88 = vector.broadcast %lt3A : i32 to vector<16xi32>
          %lt3A_89 = arith.cmpi slt, %get3A_87, %lt3A_88 : vector<16xi32>
          %eq3A_90 = arith.constant 12 : i32
          %eq3A_91 = arith.cmpi eq, %scan3A_81, %eq3A_90 : i32
          %lt3A_92 = arith.constant 8 : i32
          %lt3A_93 = vector.broadcast %lt3A_92 : i32 to vector<16xi32>
          %lt3A_94 = arith.cmpi slt, %iota3A, %lt3A_93 : vector<16xi32>
          %and3A = arith.andi %lt3A_89, %lt3A_94 : vector<16xi1>
          %select_n3A = arith.select %eq3A_91, %and3A, %lt3A_89 : vector<16xi1>
          %add3A_95 = arith.addi %mul3A_72, %scan3A_82 : i32
          %swap3A_96 = arith.index_cast %add3A_95 : i32 to index
          %swap3A_97 = tpu.vector_load %arg6[%swap3A_96] masked %select_n3A {strides = array<i32>} : memref<6416xi32, #tpu.memory_space<vmem>>, vector<16xi32>, vector<16xi1>
          tpu.vector_store %arg6[%swap3A_96], %get3A_87 masked %select_n3A {strides = array<i32>} : memref<6416xi32, #tpu.memory_space<vmem>>, vector<16xi32>, vector<16xi1>
          %all_reduce_population_count3A = tpu.all_reduce %select_n3A {dim = 0 : i64, kind = #tpu.reduction_kind<sum>} : vector<16xi1> -> vector<16xi32>
          %slice3A = vector.extract_strided_slice %all_reduce_population_count3A {offsets = [0], sizes = [1], strides = [1]} : vector<16xi32> to vector<1xi32>
          %squeeze3A = vector.extract %slice3A[0] : i32 from vector<1xi32>
          %add3A_98 = arith.addi %scan3A_82, %squeeze3A : i32
          scf.yield %add3A_98 : i32
        }
        %scan3A_79 = arith.constant 13 : i32
        %swap3A = arith.index_cast %add3A_70 : i32 to index
        %swap3A_80 = memref.load %arg12[%swap3A] : memref<32xi32, #tpu.memory_space<smem>>
        memref.store %scan3A_78, %arg12[%swap3A] : memref<32xi32, #tpu.memory_space<smem>>
      }
      %scan3A_32 = arith.constant 32 : i32
      %get3A = arith.constant 0 : i32
      %get3A_33 = arith.index_cast %get3A : i32 to index
      %get3A_34 = memref.load %arg12[%get3A_33] : memref<32xi32, #tpu.memory_space<smem>>
      %dma_start3A = arith.constant 0 : i32
      %dma_start3A_35 = arith.constant 0 : i32
      %dma_start3A_36 = tpu.memref_slice %arg8[%dma_start3A, %dma_start3A_35] : memref<200x64xbf16, #tpu.memory_space<vmem>> -> memref<56x64xbf16, #tpu.memory_space<vmem>>
      %dma_start3A_37 = arith.constant 0 : i32
      %dma_start3A_38 = tpu.memref_slice %arg6[%dma_start3A_37] : memref<6416xi32, #tpu.memory_space<vmem>> -> memref<56xi32, #tpu.memory_space<vmem>>
      %dma_start3A_39 = arith.constant 0 : i32
      %dma_start3A_40 = arith.constant 0 : i32
      %dma_start3A_41 = tpu.memref_slice %arg13[%dma_start3A_39, %dma_start3A_40] : memref<50184x64xbf16, #tpu.memory_space<vmem_shared>> -> memref<50184x64xbf16, #tpu.memory_space<vmem_shared>>
      tpu.enqueue_indirect_dma source(%dma_start3A_41 : memref<50184x64xbf16, #tpu.memory_space<vmem_shared>>) target(%dma_start3A_36 : memref<56x64xbf16, #tpu.memory_space<vmem>>) offsets(%dma_start3A_38 : memref<56xi32, #tpu.memory_space<vmem>>) semaphore(%arg14 : memref<!tpu.dma_semaphore, #tpu.memory_space<semaphore_mem>>)
      %gt3A = arith.constant 56 : i32
      %gt3A_42 = arith.cmpi sgt, %get3A_34, %gt3A : i32
      %convert_element_type3A_43 = arith.extui %gt3A_42 : i1 to i32
      %cond3A_44 = arith.constant 0 : i32
      %cond3A_45 = arith.cmpi ne, %convert_element_type3A_43, %cond3A_44 : i32
      scf.if %cond3A_45 {
        %dma_start3A_66 = arith.constant 56 : i32
        %dma_start3A_67 = arith.constant 0 : i32
        %dma_start3A_68 = tpu.memref_slice %arg8[%dma_start3A_66, %dma_start3A_67] : memref<200x64xbf16, #tpu.memory_space<vmem>> -> memref<16x64xbf16, #tpu.memory_space<vmem>>
        %dma_start3A_69 = arith.constant 56 : i32
        %dma_start3A_70 = tpu.memref_slice %arg6[%dma_start3A_69] : memref<6416xi32, #tpu.memory_space<vmem>> -> memref<16xi32, #tpu.memory_space<vmem>>
        %dma_start3A_71 = arith.constant 0 : i32
        %dma_start3A_72 = arith.constant 0 : i32
        %dma_start3A_73 = tpu.memref_slice %arg13[%dma_start3A_71, %dma_start3A_72] : memref<50184x64xbf16, #tpu.memory_space<vmem_shared>> -> memref<50184x64xbf16, #tpu.memory_space<vmem_shared>>
        tpu.enqueue_indirect_dma source(%dma_start3A_73 : memref<50184x64xbf16, #tpu.memory_space<vmem_shared>>) target(%dma_start3A_68 : memref<16x64xbf16, #tpu.memory_space<vmem>>) offsets(%dma_start3A_70 : memref<16xi32, #tpu.memory_space<vmem>>) semaphore(%arg14 : memref<!tpu.dma_semaphore, #tpu.memory_space<semaphore_mem>>)
      } else {
      }
      %gt3A_46 = arith.constant 72 : i32
      %gt3A_47 = arith.cmpi sgt, %get3A_34, %gt3A_46 : i32
      %convert_element_type3A_48 = arith.extui %gt3A_47 : i1 to i32
      %cond3A_49 = arith.constant 0 : i32
      %cond3A_50 = arith.cmpi ne, %convert_element_type3A_48, %cond3A_49 : i32
      scf.if %cond3A_50 {
        %dma_start3A_66 = arith.constant 72 : i32
        %dma_start3A_67 = arith.constant 0 : i32
        %dma_start3A_68 = tpu.memref_slice %arg8[%dma_start3A_66, %dma_start3A_67] : memref<200x64xbf16, #tpu.memory_space<vmem>> -> memref<32x64xbf16, #tpu.memory_space<vmem>>
        %dma_start3A_69 = arith.constant 72 : i32
        %dma_start3A_70 = tpu.memref_slice %arg6[%dma_start3A_69] : memref<6416xi32, #tpu.memory_space<vmem>> -> memref<32xi32, #tpu.memory_space<vmem>>
        %dma_start3A_71 = arith.constant 0 : i32
        %dma_start3A_72 = arith.constant 0 : i32
        %dma_start3A_73 = tpu.memref_slice %arg13[%dma_start3A_71, %dma_start3A_72] : memref<50184x64xbf16, #tpu.memory_space<vmem_shared>> -> memref<50184x64xbf16, #tpu.memory_space<vmem_shared>>
        tpu.enqueue_indirect_dma source(%dma_start3A_73 : memref<50184x64xbf16, #tpu.memory_space<vmem_shared>>) target(%dma_start3A_68 : memref<32x64xbf16, #tpu.memory_space<vmem>>) offsets(%dma_start3A_70 : memref<32xi32, #tpu.memory_space<vmem>>) semaphore(%arg14 : memref<!tpu.dma_semaphore, #tpu.memory_space<semaphore_mem>>)
      } else {
      }
      %gt3A_51 = arith.constant 104 : i32
      %gt3A_52 = arith.cmpi sgt, %get3A_34, %gt3A_51 : i32
      %convert_element_type3A_53 = arith.extui %gt3A_52 : i1 to i32
      %cond3A_54 = arith.constant 0 : i32
      %cond3A_55 = arith.cmpi ne, %convert_element_type3A_53, %cond3A_54 : i32
      scf.if %cond3A_55 {
        %dma_start3A_66 = arith.constant 104 : i32
        %dma_start3A_67 = arith.constant 0 : i32
        %dma_start3A_68 = tpu.memref_slice %arg8[%dma_start3A_66, %dma_start3A_67] : memref<200x64xbf16, #tpu.memory_space<vmem>> -> memref<96x64xbf16, #tpu.memory_space<vmem>>
        %dma_start3A_69 = arith.constant 104 : i32
        %dma_start3A_70 = tpu.memref_slice %arg6[%dma_start3A_69] : memref<6416xi32, #tpu.memory_space<vmem>> -> memref<96xi32, #tpu.memory_space<vmem>>
        %dma_start3A_71 = arith.constant 0 : i32
        %dma_start3A_72 = arith.constant 0 : i32
        %dma_start3A_73 = tpu.memref_slice %arg13[%dma_start3A_71, %dma_start3A_72] : memref<50184x64xbf16, #tpu.memory_space<vmem_shared>> -> memref<50184x64xbf16, #tpu.memory_space<vmem_shared>>
        tpu.enqueue_indirect_dma source(%dma_start3A_73 : memref<50184x64xbf16, #tpu.memory_space<vmem_shared>>) target(%dma_start3A_68 : memref<96x64xbf16, #tpu.memory_space<vmem>>) offsets(%dma_start3A_70 : memref<96xi32, #tpu.memory_space<vmem>>) semaphore(%arg14 : memref<!tpu.dma_semaphore, #tpu.memory_space<semaphore_mem>>)
      } else {
      }
      %scan3A_56 = arith.constant 0 : i32
      %scan3A_57 = arith.constant 16 : i32
      %scan3A_58 = arith.addi %scan3A_56, %scan3A_57 : i32
      %scan3A_59 = arith.constant 1 : i32
      scf.for %scan3A_66 = %scan3A_56 to %scan3A_58 step %scan3A_59  : i32 {
        %mul3A_67 = arith.constant 1 : i32
        %mul3A_68 = arith.muli %scan3A_66, %mul3A_67 : i32
        %add3A_69 = arith.constant 0 : i32
        %add3A_70 = arith.addi %add3A_69, %mul3A_68 : i32
        %mul3A_71 = arith.constant 2 : i32
        %mul3A_72 = arith.muli %mul3A_71, %add3A_70 : i32
        %add3A_73 = arith.constant 1 : i32
        %add3A_74 = arith.addi %mul3A_72, %add3A_73 : i32
        %mul3A_75 = arith.constant 200 : i32
        %mul3A_76 = arith.muli %add3A_74, %mul3A_75 : i32
        %get3A_77 = arith.index_cast %add3A_74 : i32 to index
        %get3A_78 = memref.load %arg12[%get3A_77] : memref<32xi32, #tpu.memory_space<smem>>
        %add3A_79 = arith.constant 0 : i32
        %add3A_80 = arith.addi %mul3A_76, %add3A_79 : i32
        %dma_start3A_81 = arith.constant 0 : i32
        %dma_start3A_82 = arith.constant 0 : i32
        %dma_start3A_83 = tpu.memref_slice %arg9[%dma_start3A_81, %dma_start3A_82] : memref<200x64xbf16, #tpu.memory_space<vmem>> -> memref<56x64xbf16, #tpu.memory_space<vmem>>
        %dma_start3A_84 = tpu.memref_slice %arg6[%add3A_80] : memref<6416xi32, #tpu.memory_space<vmem>> -> memref<56xi32, #tpu.memory_space<vmem>>
        %dma_start3A_85 = arith.constant 0 : i32
        %dma_start3A_86 = arith.constant 0 : i32
        %dma_start3A_87 = tpu.memref_slice %arg13[%dma_start3A_85, %dma_start3A_86] : memref<50184x64xbf16, #tpu.memory_space<vmem_shared>> -> memref<50184x64xbf16, #tpu.memory_space<vmem_shared>>
        tpu.enqueue_indirect_dma source(%dma_start3A_87 : memref<50184x64xbf16, #tpu.memory_space<vmem_shared>>) target(%dma_start3A_83 : memref<56x64xbf16, #tpu.memory_space<vmem>>) offsets(%dma_start3A_84 : memref<56xi32, #tpu.memory_space<vmem>>) semaphore(%arg15 : memref<!tpu.dma_semaphore, #tpu.memory_space<semaphore_mem>>)
        %gt3A_88 = arith.constant 56 : i32
        %gt3A_89 = arith.cmpi sgt, %get3A_78, %gt3A_88 : i32
        %convert_element_type3A_90 = arith.extui %gt3A_89 : i1 to i32
        %cond3A_91 = arith.constant 0 : i32
        %cond3A_92 = arith.cmpi ne, %convert_element_type3A_90, %cond3A_91 : i32
        scf.if %cond3A_92 {
          %add3A_231 = arith.constant 56 : i32
          %add3A_232 = arith.addi %mul3A_76, %add3A_231 : i32
          %dma_start3A_233 = arith.constant 56 : i32
          %dma_start3A_234 = arith.constant 0 : i32
          %dma_start3A_235 = tpu.memref_slice %arg9[%dma_start3A_233, %dma_start3A_234] : memref<200x64xbf16, #tpu.memory_space<vmem>> -> memref<16x64xbf16, #tpu.memory_space<vmem>>
          %dma_start3A_236 = tpu.memref_slice %arg6[%add3A_232] : memref<6416xi32, #tpu.memory_space<vmem>> -> memref<16xi32, #tpu.memory_space<vmem>>
          %dma_start3A_237 = arith.constant 0 : i32
          %dma_start3A_238 = arith.constant 0 : i32
          %dma_start3A_239 = tpu.memref_slice %arg13[%dma_start3A_237, %dma_start3A_238] : memref<50184x64xbf16, #tpu.memory_space<vmem_shared>> -> memref<50184x64xbf16, #tpu.memory_space<vmem_shared>>
          tpu.enqueue_indirect_dma source(%dma_start3A_239 : memref<50184x64xbf16, #tpu.memory_space<vmem_shared>>) target(%dma_start3A_235 : memref<16x64xbf16, #tpu.memory_space<vmem>>) offsets(%dma_start3A_236 : memref<16xi32, #tpu.memory_space<vmem>>) semaphore(%arg15 : memref<!tpu.dma_semaphore, #tpu.memory_space<semaphore_mem>>)
        } else {
        }
        %gt3A_93 = arith.constant 72 : i32
        %gt3A_94 = arith.cmpi sgt, %get3A_78, %gt3A_93 : i32
        %convert_element_type3A_95 = arith.extui %gt3A_94 : i1 to i32
        %cond3A_96 = arith.constant 0 : i32
        %cond3A_97 = arith.cmpi ne, %convert_element_type3A_95, %cond3A_96 : i32
        scf.if %cond3A_97 {
          %add3A_231 = arith.constant 72 : i32
          %add3A_232 = arith.addi %mul3A_76, %add3A_231 : i32
          %dma_start3A_233 = arith.constant 72 : i32
          %dma_start3A_234 = arith.constant 0 : i32
          %dma_start3A_235 = tpu.memref_slice %arg9[%dma_start3A_233, %dma_start3A_234] : memref<200x64xbf16, #tpu.memory_space<vmem>> -> memref<32x64xbf16, #tpu.memory_space<vmem>>
          %dma_start3A_236 = tpu.memref_slice %arg6[%add3A_232] : memref<6416xi32, #tpu.memory_space<vmem>> -> memref<32xi32, #tpu.memory_space<vmem>>
          %dma_start3A_237 = arith.constant 0 : i32
          %dma_start3A_238 = arith.constant 0 : i32
          %dma_start3A_239 = tpu.memref_slice %arg13[%dma_start3A_237, %dma_start3A_238] : memref<50184x64xbf16, #tpu.memory_space<vmem_shared>> -> memref<50184x64xbf16, #tpu.memory_space<vmem_shared>>
          tpu.enqueue_indirect_dma source(%dma_start3A_239 : memref<50184x64xbf16, #tpu.memory_space<vmem_shared>>) target(%dma_start3A_235 : memref<32x64xbf16, #tpu.memory_space<vmem>>) offsets(%dma_start3A_236 : memref<32xi32, #tpu.memory_space<vmem>>) semaphore(%arg15 : memref<!tpu.dma_semaphore, #tpu.memory_space<semaphore_mem>>)
        } else {
        }
        %gt3A_98 = arith.constant 104 : i32
        %gt3A_99 = arith.cmpi sgt, %get3A_78, %gt3A_98 : i32
        %convert_element_type3A_100 = arith.extui %gt3A_99 : i1 to i32
        %cond3A_101 = arith.constant 0 : i32
        %cond3A_102 = arith.cmpi ne, %convert_element_type3A_100, %cond3A_101 : i32
        scf.if %cond3A_102 {
          %add3A_231 = arith.constant 104 : i32
          %add3A_232 = arith.addi %mul3A_76, %add3A_231 : i32
          %dma_start3A_233 = arith.constant 104 : i32
          %dma_start3A_234 = arith.constant 0 : i32
          %dma_start3A_235 = tpu.memref_slice %arg9[%dma_start3A_233, %dma_start3A_234] : memref<200x64xbf16, #tpu.memory_space<vmem>> -> memref<96x64xbf16, #tpu.memory_space<vmem>>
          %dma_start3A_236 = tpu.memref_slice %arg6[%add3A_232] : memref<6416xi32, #tpu.memory_space<vmem>> -> memref<96xi32, #tpu.memory_space<vmem>>
          %dma_start3A_237 = arith.constant 0 : i32
          %dma_start3A_238 = arith.constant 0 : i32
          %dma_start3A_239 = tpu.memref_slice %arg13[%dma_start3A_237, %dma_start3A_238] : memref<50184x64xbf16, #tpu.memory_space<vmem_shared>> -> memref<50184x64xbf16, #tpu.memory_space<vmem_shared>>
          tpu.enqueue_indirect_dma source(%dma_start3A_239 : memref<50184x64xbf16, #tpu.memory_space<vmem_shared>>) target(%dma_start3A_235 : memref<96x64xbf16, #tpu.memory_space<vmem>>) offsets(%dma_start3A_236 : memref<96xi32, #tpu.memory_space<vmem>>) semaphore(%arg15 : memref<!tpu.dma_semaphore, #tpu.memory_space<semaphore_mem>>)
        } else {
        }
        %get3A_103 = arith.index_cast %mul3A_72 : i32 to index
        %get3A_104 = memref.load %arg12[%get3A_103] : memref<32xi32, #tpu.memory_space<smem>>
        %dma_wait3A = arith.constant 0 : i32
        %dma_wait3A_105 = arith.constant 0 : i32
        %dma_wait3A_106 = tpu.memref_slice %arg8[%dma_wait3A, %dma_wait3A_105] : memref<200x64xbf16, #tpu.memory_space<vmem>> -> memref<56x64xbf16, #tpu.memory_space<vmem>>
        %dma_wait3A_107 = arith.constant 0 : i32
        %dma_wait3A_108 = arith.constant 0 : i32
        %dma_wait3A_109 = tpu.memref_slice %arg2[%dma_wait3A_107, %dma_wait3A_108] : memref<100000x64xbf16, #tpu.memory_space<hbm>> -> memref<56x64xbf16, #tpu.memory_space<hbm>>
        %dma_wait3A_110 = arith.constant 0 : i32
        %dma_wait3A_111 = arith.constant 0 : i32
        %dma_wait3A_112 = tpu.memref_slice %arg8[%dma_wait3A_110, %dma_wait3A_111] : memref<200x64xbf16, #tpu.memory_space<vmem>> -> memref<56x64xbf16, #tpu.memory_space<vmem>>
        %dma_wait3A_113 = arith.constant 0 : i32
        %dma_wait3A_114 = arith.constant 0 : i32
        %dma_wait3A_115 = tpu.memref_slice %arg2[%dma_wait3A_113, %dma_wait3A_114] : memref<100000x64xbf16, #tpu.memory_space<hbm>> -> memref<56x64xbf16, #tpu.memory_space<hbm>>
        tpu.wait_dma2 semaphore(%arg14 : memref<!tpu.dma_semaphore, #tpu.memory_space<semaphore_mem>>) src(%dma_wait3A_115 : memref<56x64xbf16, #tpu.memory_space<hbm>>) dst(%dma_wait3A_112 : memref<56x64xbf16, #tpu.memory_space<vmem>>)
        %gt3A_116 = arith.constant 56 : i32
        %gt3A_117 = arith.cmpi sgt, %get3A_104, %gt3A_116 : i32
        %convert_element_type3A_118 = arith.extui %gt3A_117 : i1 to i32
        %cond3A_119 = arith.constant 0 : i32
        %cond3A_120 = arith.cmpi ne, %convert_element_type3A_118, %cond3A_119 : i32
        scf.if %cond3A_120 {
          %dma_wait3A_231 = arith.constant 56 : i32
          %dma_wait3A_232 = arith.constant 0 : i32
          %dma_wait3A_233 = tpu.memref_slice %arg8[%dma_wait3A_231, %dma_wait3A_232] : memref<200x64xbf16, #tpu.memory_space<vmem>> -> memref<16x64xbf16, #tpu.memory_space<vmem>>
          %dma_wait3A_234 = arith.constant 0 : i32
          %dma_wait3A_235 = arith.constant 0 : i32
          %dma_wait3A_236 = tpu.memref_slice %arg2[%dma_wait3A_234, %dma_wait3A_235] : memref<100000x64xbf16, #tpu.memory_space<hbm>> -> memref<16x64xbf16, #tpu.memory_space<hbm>>
          %dma_wait3A_237 = arith.constant 56 : i32
          %dma_wait3A_238 = arith.constant 0 : i32
          %dma_wait3A_239 = tpu.memref_slice %arg8[%dma_wait3A_237, %dma_wait3A_238] : memref<200x64xbf16, #tpu.memory_space<vmem>> -> memref<16x64xbf16, #tpu.memory_space<vmem>>
          %dma_wait3A_240 = arith.constant 0 : i32
          %dma_wait3A_241 = arith.constant 0 : i32
          %dma_wait3A_242 = tpu.memref_slice %arg2[%dma_wait3A_240, %dma_wait3A_241] : memref<100000x64xbf16, #tpu.memory_space<hbm>> -> memref<16x64xbf16, #tpu.memory_space<hbm>>
          tpu.wait_dma2 semaphore(%arg14 : memref<!tpu.dma_semaphore, #tpu.memory_space<semaphore_mem>>) src(%dma_wait3A_242 : memref<16x64xbf16, #tpu.memory_space<hbm>>) dst(%dma_wait3A_239 : memref<16x64xbf16, #tpu.memory_space<vmem>>)
        } else {
        }
        %gt3A_121 = arith.constant 72 : i32
        %gt3A_122 = arith.cmpi sgt, %get3A_104, %gt3A_121 : i32
        %convert_element_type3A_123 = arith.extui %gt3A_122 : i1 to i32
        %cond3A_124 = arith.constant 0 : i32
        %cond3A_125 = arith.cmpi ne, %convert_element_type3A_123, %cond3A_124 : i32
        scf.if %cond3A_125 {
          %dma_wait3A_231 = arith.constant 72 : i32
          %dma_wait3A_232 = arith.constant 0 : i32
          %dma_wait3A_233 = tpu.memref_slice %arg8[%dma_wait3A_231, %dma_wait3A_232] : memref<200x64xbf16, #tpu.memory_space<vmem>> -> memref<32x64xbf16, #tpu.memory_space<vmem>>
          %dma_wait3A_234 = arith.constant 0 : i32
          %dma_wait3A_235 = arith.constant 0 : i32
          %dma_wait3A_236 = tpu.memref_slice %arg2[%dma_wait3A_234, %dma_wait3A_235] : memref<100000x64xbf16, #tpu.memory_space<hbm>> -> memref<32x64xbf16, #tpu.memory_space<hbm>>
          %dma_wait3A_237 = arith.constant 72 : i32
          %dma_wait3A_238 = arith.constant 0 : i32
          %dma_wait3A_239 = tpu.memref_slice %arg8[%dma_wait3A_237, %dma_wait3A_238] : memref<200x64xbf16, #tpu.memory_space<vmem>> -> memref<32x64xbf16, #tpu.memory_space<vmem>>
          %dma_wait3A_240 = arith.constant 0 : i32
          %dma_wait3A_241 = arith.constant 0 : i32
          %dma_wait3A_242 = tpu.memref_slice %arg2[%dma_wait3A_240, %dma_wait3A_241] : memref<100000x64xbf16, #tpu.memory_space<hbm>> -> memref<32x64xbf16, #tpu.memory_space<hbm>>
          tpu.wait_dma2 semaphore(%arg14 : memref<!tpu.dma_semaphore, #tpu.memory_space<semaphore_mem>>) src(%dma_wait3A_242 : memref<32x64xbf16, #tpu.memory_space<hbm>>) dst(%dma_wait3A_239 : memref<32x64xbf16, #tpu.memory_space<vmem>>)
        } else {
        }
        %gt3A_126 = arith.constant 104 : i32
        %gt3A_127 = arith.cmpi sgt, %get3A_104, %gt3A_126 : i32
        %convert_element_type3A_128 = arith.extui %gt3A_127 : i1 to i32
        %cond3A_129 = arith.constant 0 : i32
        %cond3A_130 = arith.cmpi ne, %convert_element_type3A_128, %cond3A_129 : i32
        scf.if %cond3A_130 {
          %dma_wait3A_231 = arith.constant 104 : i32
          %dma_wait3A_232 = arith.constant 0 : i32
          %dma_wait3A_233 = tpu.memref_slice %arg8[%dma_wait3A_231, %dma_wait3A_232] : memref<200x64xbf16, #tpu.memory_space<vmem>> -> memref<96x64xbf16, #tpu.memory_space<vmem>>
          %dma_wait3A_234 = arith.constant 0 : i32
          %dma_wait3A_235 = arith.constant 0 : i32
          %dma_wait3A_236 = tpu.memref_slice %arg2[%dma_wait3A_234, %dma_wait3A_235] : memref<100000x64xbf16, #tpu.memory_space<hbm>> -> memref<96x64xbf16, #tpu.memory_space<hbm>>
          %dma_wait3A_237 = arith.constant 104 : i32
          %dma_wait3A_238 = arith.constant 0 : i32
          %dma_wait3A_239 = tpu.memref_slice %arg8[%dma_wait3A_237, %dma_wait3A_238] : memref<200x64xbf16, #tpu.memory_space<vmem>> -> memref<96x64xbf16, #tpu.memory_space<vmem>>
          %dma_wait3A_240 = arith.constant 0 : i32
          %dma_wait3A_241 = arith.constant 0 : i32
          %dma_wait3A_242 = tpu.memref_slice %arg2[%dma_wait3A_240, %dma_wait3A_241] : memref<100000x64xbf16, #tpu.memory_space<hbm>> -> memref<96x64xbf16, #tpu.memory_space<hbm>>
          tpu.wait_dma2 semaphore(%arg14 : memref<!tpu.dma_semaphore, #tpu.memory_space<semaphore_mem>>) src(%dma_wait3A_242 : memref<96x64xbf16, #tpu.memory_space<hbm>>) dst(%dma_wait3A_239 : memref<96x64xbf16, #tpu.memory_space<vmem>>)
        } else {
        }
        %get3A_131 = arith.index_cast %mul3A_72 : i32 to index
        %get3A_132 = memref.load %arg12[%get3A_131] : memref<32xi32, #tpu.memory_space<smem>>
        %broadcast_in_dim3A = arith.constant 0.000000e+00 : f32
        %broadcast_in_dim3A_133 = vector.broadcast %broadcast_in_dim3A : f32 to vector<16xf32>
        %broadcast_in_dim3A_134 = arith.constant 0.000000e+00 : f32
        %broadcast_in_dim3A_135 = vector.broadcast %broadcast_in_dim3A_134 : f32 to vector<16xf32>
        %broadcast_in_dim3A_136 = arith.constant 0.000000e+00 : f32
        %broadcast_in_dim3A_137 = vector.broadcast %broadcast_in_dim3A_136 : f32 to vector<16xf32>
        %broadcast_in_dim3A_138 = arith.constant 0.000000e+00 : f32
        %broadcast_in_dim3A_139 = vector.broadcast %broadcast_in_dim3A_138 : f32 to vector<16xf32>
        %while3A = arith.constant 0 : i32
        %while3A_140 = arith.subi %get3A_132, %while3A : i32
        %while3A_141 = arith.addi %while3A, %while3A_140 : i32
        %while3A_142 = arith.constant 1 : i32
        %while3A_143 = arith.divsi %while3A_140, %while3A_142 : i32
        %while3A_144 = arith.muli %while3A_143, %while3A_142 : i32
        %while3A_145 = arith.addi %while3A, %while3A_144 : i32
        %while3A_146 = arith.constant 1 : i32
        %while3A_147:4 = scf.for %while3A_231 = %while3A to %while3A_145 step %while3A_146 iter_args(%while3A_232 = %broadcast_in_dim3A_133, %while3A_233 = %broadcast_in_dim3A_135, %while3A_234 = %broadcast_in_dim3A_137, %while3A_235 = %broadcast_in_dim3A_139) -> (vector<16xf32>, vector<16xf32>, vector<16xf32>, vector<16xf32>)  : i32 {
          %get3A_236 = arith.index_cast %while3A_231 : i32 to index
          %get3A_237 = arith.constant 0 : index
          %get3A_238 = tpu.vector_load %arg8[%get3A_236, %get3A_237] {strides = array<i32>} : memref<200x64xbf16, #tpu.memory_space<vmem>>, vector<32xbf16>,
          %unpack3A = tpu.unpack_subelements %get3A_238, 0 {pack_format = #tpu.pack_format<interleaved>} : vector<32xbf16> -> vector<16xf32>
          %unpack3A_239 = tpu.unpack_subelements %get3A_238, 1 {pack_format = #tpu.pack_format<interleaved>} : vector<32xbf16> -> vector<16xf32>
          %get3A_240 = arith.index_cast %while3A_231 : i32 to index
          %get3A_241 = arith.constant 32 : index
          %get3A_242 = tpu.vector_load %arg8[%get3A_240, %get3A_241] {strides = array<i32>} : memref<200x64xbf16, #tpu.memory_space<vmem>>, vector<32xbf16>,
          %unpack3A_243 = tpu.unpack_subelements %get3A_242, 0 {pack_format = #tpu.pack_format<interleaved>} : vector<32xbf16> -> vector<16xf32>
          %unpack3A_244 = tpu.unpack_subelements %get3A_242, 1 {pack_format = #tpu.pack_format<interleaved>} : vector<32xbf16> -> vector<16xf32>
          %add3A_245 = arith.addf %while3A_232, %unpack3A : vector<16xf32>
          %add3A_246 = arith.addf %while3A_233, %unpack3A_239 : vector<16xf32>
          %add3A_247 = arith.addf %while3A_234, %unpack3A_243 : vector<16xf32>
          %add3A_248 = arith.addf %while3A_235, %unpack3A_244 : vector<16xf32>
          scf.yield %add3A_245, %add3A_246, %add3A_247, %add3A_248 : vector<16xf32>, vector<16xf32>, vector<16xf32>, vector<16xf32>
        }
        %while3A_148 = arith.constant 1 : i32
        %while3A_149:4 = scf.for %while3A_231 = %while3A_145 to %while3A_141 step %while3A_148 iter_args(%while3A_232 = %while3A_147#0, %while3A_233 = %while3A_147#1, %while3A_234 = %while3A_147#2, %while3A_235 = %while3A_147#3) -> (vector<16xf32>, vector<16xf32>, vector<16xf32>, vector<16xf32>)  : i32 {
          %get3A_236 = arith.index_cast %while3A_231 : i32 to index
          %get3A_237 = arith.constant 0 : index
          %get3A_238 = tpu.vector_load %arg8[%get3A_236, %get3A_237] {strides = array<i32>} : memref<200x64xbf16, #tpu.memory_space<vmem>>, vector<32xbf16>,
          %unpack3A = tpu.unpack_subelements %get3A_238, 0 {pack_format = #tpu.pack_format<interleaved>} : vector<32xbf16> -> vector<16xf32>
          %unpack3A_239 = tpu.unpack_subelements %get3A_238, 1 {pack_format = #tpu.pack_format<interleaved>} : vector<32xbf16> -> vector<16xf32>
          %get3A_240 = arith.index_cast %while3A_231 : i32 to index
          %get3A_241 = arith.constant 32 : index
          %get3A_242 = tpu.vector_load %arg8[%get3A_240, %get3A_241] {strides = array<i32>} : memref<200x64xbf16, #tpu.memory_space<vmem>>, vector<32xbf16>,
          %unpack3A_243 = tpu.unpack_subelements %get3A_242, 0 {pack_format = #tpu.pack_format<interleaved>} : vector<32xbf16> -> vector<16xf32>
          %unpack3A_244 = tpu.unpack_subelements %get3A_242, 1 {pack_format = #tpu.pack_format<interleaved>} : vector<32xbf16> -> vector<16xf32>
          %add3A_245 = arith.addf %while3A_232, %unpack3A : vector<16xf32>
          %add3A_246 = arith.addf %while3A_233, %unpack3A_239 : vector<16xf32>
          %add3A_247 = arith.addf %while3A_234, %unpack3A_243 : vector<16xf32>
          %add3A_248 = arith.addf %while3A_235, %unpack3A_244 : vector<16xf32>
          scf.yield %add3A_245, %add3A_246, %add3A_247, %add3A_248 : vector<16xf32>, vector<16xf32>, vector<16xf32>, vector<16xf32>
        }
        %swap3A = arith.index_cast %mul3A_72 : i32 to index
        %swap3A_150 = arith.constant 0 : index
        %swap3A_151 = tpu.vector_load %arg11[%swap3A, %swap3A_150] {strides = array<i32>} : memref<32x64xf32, #tpu.memory_space<vmem>>, vector<16xf32>,
        tpu.vector_store %arg11[%swap3A, %swap3A_150], %while3A_149#0 {strides = array<i32>} : memref<32x64xf32, #tpu.memory_space<vmem>>, vector<16xf32>,
        %swap3A_152 = arith.index_cast %mul3A_72 : i32 to index
        %swap3A_153 = arith.constant 16 : index
        %swap3A_154 = tpu.vector_load %arg11[%swap3A_152, %swap3A_153] {strides = array<i32>} : memref<32x64xf32, #tpu.memory_space<vmem>>, vector<16xf32>,
        tpu.vector_store %arg11[%swap3A_152, %swap3A_153], %while3A_149#1 {strides = array<i32>} : memref<32x64xf32, #tpu.memory_space<vmem>>, vector<16xf32>,
        %swap3A_155 = arith.index_cast %mul3A_72 : i32 to index
        %swap3A_156 = arith.constant 32 : index
        %swap3A_157 = tpu.vector_load %arg11[%swap3A_155, %swap3A_156] {strides = array<i32>} : memref<32x64xf32, #tpu.memory_space<vmem>>, vector<16xf32>,
        tpu.vector_store %arg11[%swap3A_155, %swap3A_156], %while3A_149#2 {strides = array<i32>} : memref<32x64xf32, #tpu.memory_space<vmem>>, vector<16xf32>,
        %swap3A_158 = arith.index_cast %mul3A_72 : i32 to index
        %swap3A_159 = arith.constant 48 : index
        %swap3A_160 = tpu.vector_load %arg11[%swap3A_158, %swap3A_159] {strides = array<i32>} : memref<32x64xf32, #tpu.memory_space<vmem>>, vector<16xf32>,
        tpu.vector_store %arg11[%swap3A_158, %swap3A_159], %while3A_149#3 {strides = array<i32>} : memref<32x64xf32, #tpu.memory_space<vmem>>, vector<16xf32>,
        %lt3A = arith.constant 15 : i32
        %lt3A_161 = arith.cmpi slt, %add3A_70, %lt3A : i32
        %convert_element_type3A_162 = arith.extui %lt3A_161 : i1 to i32
        %cond3A_163 = arith.constant 0 : i32
        %cond3A_164 = arith.cmpi ne, %convert_element_type3A_162, %cond3A_163 : i32
        scf.if %cond3A_164 {
          %add3A_231 = arith.constant 2 : i32
          %add3A_232 = arith.addi %mul3A_72, %add3A_231 : i32
          %mul3A_233 = arith.constant 200 : i32
          %mul3A_234 = arith.muli %add3A_232, %mul3A_233 : i32
          %get3A_235 = arith.index_cast %add3A_232 : i32 to index
          %get3A_236 = memref.load %arg12[%get3A_235] : memref<32xi32, #tpu.memory_space<smem>>
          %add3A_237 = arith.constant 0 : i32
          %add3A_238 = arith.addi %mul3A_234, %add3A_237 : i32
          %dma_start3A_239 = arith.constant 0 : i32
          %dma_start3A_240 = arith.constant 0 : i32
          %dma_start3A_241 = tpu.memref_slice %arg8[%dma_start3A_239, %dma_start3A_240] : memref<200x64xbf16, #tpu.memory_space<vmem>> -> memref<56x64xbf16, #tpu.memory_space<vmem>>
          %dma_start3A_242 = tpu.memref_slice %arg6[%add3A_238] : memref<6416xi32, #tpu.memory_space<vmem>> -> memref<56xi32, #tpu.memory_space<vmem>>
          %dma_start3A_243 = arith.constant 0 : i32
          %dma_start3A_244 = arith.constant 0 : i32
          %dma_start3A_245 = tpu.memref_slice %arg13[%dma_start3A_243, %dma_start3A_244] : memref<50184x64xbf16, #tpu.memory_space<vmem_shared>> -> memref<50184x64xbf16, #tpu.memory_space<vmem_shared>>
          tpu.enqueue_indirect_dma source(%dma_start3A_245 : memref<50184x64xbf16, #tpu.memory_space<vmem_shared>>) target(%dma_start3A_241 : memref<56x64xbf16, #tpu.memory_space<vmem>>) offsets(%dma_start3A_242 : memref<56xi32, #tpu.memory_space<vmem>>) semaphore(%arg14 : memref<!tpu.dma_semaphore, #tpu.memory_space<semaphore_mem>>)
          %gt3A_246 = arith.constant 56 : i32
          %gt3A_247 = arith.cmpi sgt, %get3A_236, %gt3A_246 : i32
          %convert_element_type3A_248 = arith.extui %gt3A_247 : i1 to i32
          %cond3A_249 = arith.constant 0 : i32
          %cond3A_250 = arith.cmpi ne, %convert_element_type3A_248, %cond3A_249 : i32
          scf.if %cond3A_250 {
            %add3A_261 = arith.constant 56 : i32
            %add3A_262 = arith.addi %mul3A_234, %add3A_261 : i32
            %dma_start3A_263 = arith.constant 56 : i32
            %dma_start3A_264 = arith.constant 0 : i32
            %dma_start3A_265 = tpu.memref_slice %arg8[%dma_start3A_263, %dma_start3A_264] : memref<200x64xbf16, #tpu.memory_space<vmem>> -> memref<16x64xbf16, #tpu.memory_space<vmem>>
            %dma_start3A_266 = tpu.memref_slice %arg6[%add3A_262] : memref<6416xi32, #tpu.memory_space<vmem>> -> memref<16xi32, #tpu.memory_space<vmem>>
            %dma_start3A_267 = arith.constant 0 : i32
            %dma_start3A_268 = arith.constant 0 : i32
            %dma_start3A_269 = tpu.memref_slice %arg13[%dma_start3A_267, %dma_start3A_268] : memref<50184x64xbf16, #tpu.memory_space<vmem_shared>> -> memref<50184x64xbf16, #tpu.memory_space<vmem_shared>>
            tpu.enqueue_indirect_dma source(%dma_start3A_269 : memref<50184x64xbf16, #tpu.memory_space<vmem_shared>>) target(%dma_start3A_265 : memref<16x64xbf16, #tpu.memory_space<vmem>>) offsets(%dma_start3A_266 : memref<16xi32, #tpu.memory_space<vmem>>) semaphore(%arg14 : memref<!tpu.dma_semaphore, #tpu.memory_space<semaphore_mem>>)
          } else {
          }
          %gt3A_251 = arith.constant 72 : i32
          %gt3A_252 = arith.cmpi sgt, %get3A_236, %gt3A_251 : i32
          %convert_element_type3A_253 = arith.extui %gt3A_252 : i1 to i32
          %cond3A_254 = arith.constant 0 : i32
          %cond3A_255 = arith.cmpi ne, %convert_element_type3A_253, %cond3A_254 : i32
          scf.if %cond3A_255 {
            %add3A_261 = arith.constant 72 : i32
            %add3A_262 = arith.addi %mul3A_234, %add3A_261 : i32
            %dma_start3A_263 = arith.constant 72 : i32
            %dma_start3A_264 = arith.constant 0 : i32
            %dma_start3A_265 = tpu.memref_slice %arg8[%dma_start3A_263, %dma_start3A_264] : memref<200x64xbf16, #tpu.memory_space<vmem>> -> memref<32x64xbf16, #tpu.memory_space<vmem>>
            %dma_start3A_266 = tpu.memref_slice %arg6[%add3A_262] : memref<6416xi32, #tpu.memory_space<vmem>> -> memref<32xi32, #tpu.memory_space<vmem>>
            %dma_start3A_267 = arith.constant 0 : i32
            %dma_start3A_268 = arith.constant 0 : i32
            %dma_start3A_269 = tpu.memref_slice %arg13[%dma_start3A_267, %dma_start3A_268] : memref<50184x64xbf16, #tpu.memory_space<vmem_shared>> -> memref<50184x64xbf16, #tpu.memory_space<vmem_shared>>
            tpu.enqueue_indirect_dma source(%dma_start3A_269 : memref<50184x64xbf16, #tpu.memory_space<vmem_shared>>) target(%dma_start3A_265 : memref<32x64xbf16, #tpu.memory_space<vmem>>) offsets(%dma_start3A_266 : memref<32xi32, #tpu.memory_space<vmem>>) semaphore(%arg14 : memref<!tpu.dma_semaphore, #tpu.memory_space<semaphore_mem>>)
          } else {
          }
          %gt3A_256 = arith.constant 104 : i32
          %gt3A_257 = arith.cmpi sgt, %get3A_236, %gt3A_256 : i32
          %convert_element_type3A_258 = arith.extui %gt3A_257 : i1 to i32
          %cond3A_259 = arith.constant 0 : i32
          %cond3A_260 = arith.cmpi ne, %convert_element_type3A_258, %cond3A_259 : i32
          scf.if %cond3A_260 {
            %add3A_261 = arith.constant 104 : i32
            %add3A_262 = arith.addi %mul3A_234, %add3A_261 : i32
            %dma_start3A_263 = arith.constant 104 : i32
            %dma_start3A_264 = arith.constant 0 : i32
            %dma_start3A_265 = tpu.memref_slice %arg8[%dma_start3A_263, %dma_start3A_264] : memref<200x64xbf16, #tpu.memory_space<vmem>> -> memref<96x64xbf16, #tpu.memory_space<vmem>>
            %dma_start3A_266 = tpu.memref_slice %arg6[%add3A_262] : memref<6416xi32, #tpu.memory_space<vmem>> -> memref<96xi32, #tpu.memory_space<vmem>>
            %dma_start3A_267 = arith.constant 0 : i32
            %dma_start3A_268 = arith.constant 0 : i32
            %dma_start3A_269 = tpu.memref_slice %arg13[%dma_start3A_267, %dma_start3A_268] : memref<50184x64xbf16, #tpu.memory_space<vmem_shared>> -> memref<50184x64xbf16, #tpu.memory_space<vmem_shared>>
            tpu.enqueue_indirect_dma source(%dma_start3A_269 : memref<50184x64xbf16, #tpu.memory_space<vmem_shared>>) target(%dma_start3A_265 : memref<96x64xbf16, #tpu.memory_space<vmem>>) offsets(%dma_start3A_266 : memref<96xi32, #tpu.memory_space<vmem>>) semaphore(%arg14 : memref<!tpu.dma_semaphore, #tpu.memory_space<semaphore_mem>>)
          } else {
          }
        } else {
        }
        %add3A_165 = arith.constant 1 : i32
        %add3A_166 = arith.addi %mul3A_72, %add3A_165 : i32
        %get3A_167 = arith.index_cast %add3A_166 : i32 to index
        %get3A_168 = memref.load %arg12[%get3A_167] : memref<32xi32, #tpu.memory_space<smem>>
        %dma_wait3A_169 = arith.constant 0 : i32
        %dma_wait3A_170 = arith.constant 0 : i32
        %dma_wait3A_171 = tpu.memref_slice %arg9[%dma_wait3A_169, %dma_wait3A_170] : memref<200x64xbf16, #tpu.memory_space<vmem>> -> memref<56x64xbf16, #tpu.memory_space<vmem>>
        %dma_wait3A_172 = arith.constant 0 : i32
        %dma_wait3A_173 = arith.constant 0 : i32
        %dma_wait3A_174 = tpu.memref_slice %arg2[%dma_wait3A_172, %dma_wait3A_173] : memref<100000x64xbf16, #tpu.memory_space<hbm>> -> memref<56x64xbf16, #tpu.memory_space<hbm>>
        %dma_wait3A_175 = arith.constant 0 : i32
        %dma_wait3A_176 = arith.constant 0 : i32
        %dma_wait3A_177 = tpu.memref_slice %arg9[%dma_wait3A_175, %dma_wait3A_176] : memref<200x64xbf16, #tpu.memory_space<vmem>> -> memref<56x64xbf16, #tpu.memory_space<vmem>>
        %dma_wait3A_178 = arith.constant 0 : i32
        %dma_wait3A_179 = arith.constant 0 : i32
        %dma_wait3A_180 = tpu.memref_slice %arg2[%dma_wait3A_178, %dma_wait3A_179] : memref<100000x64xbf16, #tpu.memory_space<hbm>> -> memref<56x64xbf16, #tpu.memory_space<hbm>>
        tpu.wait_dma2 semaphore(%arg15 : memref<!tpu.dma_semaphore, #tpu.memory_space<semaphore_mem>>) src(%dma_wait3A_180 : memref<56x64xbf16, #tpu.memory_space<hbm>>) dst(%dma_wait3A_177 : memref<56x64xbf16, #tpu.memory_space<vmem>>)
        %gt3A_181 = arith.constant 56 : i32
        %gt3A_182 = arith.cmpi sgt, %get3A_168, %gt3A_181 : i32
        %convert_element_type3A_183 = arith.extui %gt3A_182 : i1 to i32
        %cond3A_184 = arith.constant 0 : i32
        %cond3A_185 = arith.cmpi ne, %convert_element_type3A_183, %cond3A_184 : i32
        scf.if %cond3A_185 {
          %dma_wait3A_231 = arith.constant 56 : i32
          %dma_wait3A_232 = arith.constant 0 : i32
          %dma_wait3A_233 = tpu.memref_slice %arg9[%dma_wait3A_231, %dma_wait3A_232] : memref<200x64xbf16, #tpu.memory_space<vmem>> -> memref<16x64xbf16, #tpu.memory_space<vmem>>
          %dma_wait3A_234 = arith.constant 0 : i32
          %dma_wait3A_235 = arith.constant 0 : i32
          %dma_wait3A_236 = tpu.memref_slice %arg2[%dma_wait3A_234, %dma_wait3A_235] : memref<100000x64xbf16, #tpu.memory_space<hbm>> -> memref<16x64xbf16, #tpu.memory_space<hbm>>
          %dma_wait3A_237 = arith.constant 56 : i32
          %dma_wait3A_238 = arith.constant 0 : i32
          %dma_wait3A_239 = tpu.memref_slice %arg9[%dma_wait3A_237, %dma_wait3A_238] : memref<200x64xbf16, #tpu.memory_space<vmem>> -> memref<16x64xbf16, #tpu.memory_space<vmem>>
          %dma_wait3A_240 = arith.constant 0 : i32
          %dma_wait3A_241 = arith.constant 0 : i32
          %dma_wait3A_242 = tpu.memref_slice %arg2[%dma_wait3A_240, %dma_wait3A_241] : memref<100000x64xbf16, #tpu.memory_space<hbm>> -> memref<16x64xbf16, #tpu.memory_space<hbm>>
          tpu.wait_dma2 semaphore(%arg15 : memref<!tpu.dma_semaphore, #tpu.memory_space<semaphore_mem>>) src(%dma_wait3A_242 : memref<16x64xbf16, #tpu.memory_space<hbm>>) dst(%dma_wait3A_239 : memref<16x64xbf16, #tpu.memory_space<vmem>>)
        } else {
        }
        %gt3A_186 = arith.constant 72 : i32
        %gt3A_187 = arith.cmpi sgt, %get3A_168, %gt3A_186 : i32
        %convert_element_type3A_188 = arith.extui %gt3A_187 : i1 to i32
        %cond3A_189 = arith.constant 0 : i32
        %cond3A_190 = arith.cmpi ne, %convert_element_type3A_188, %cond3A_189 : i32
        scf.if %cond3A_190 {
          %dma_wait3A_231 = arith.constant 72 : i32
          %dma_wait3A_232 = arith.constant 0 : i32
          %dma_wait3A_233 = tpu.memref_slice %arg9[%dma_wait3A_231, %dma_wait3A_232] : memref<200x64xbf16, #tpu.memory_space<vmem>> -> memref<32x64xbf16, #tpu.memory_space<vmem>>
          %dma_wait3A_234 = arith.constant 0 : i32
          %dma_wait3A_235 = arith.constant 0 : i32
          %dma_wait3A_236 = tpu.memref_slice %arg2[%dma_wait3A_234, %dma_wait3A_235] : memref<100000x64xbf16, #tpu.memory_space<hbm>> -> memref<32x64xbf16, #tpu.memory_space<hbm>>
          %dma_wait3A_237 = arith.constant 72 : i32
          %dma_wait3A_238 = arith.constant 0 : i32
          %dma_wait3A_239 = tpu.memref_slice %arg9[%dma_wait3A_237, %dma_wait3A_238] : memref<200x64xbf16, #tpu.memory_space<vmem>> -> memref<32x64xbf16, #tpu.memory_space<vmem>>
          %dma_wait3A_240 = arith.constant 0 : i32
          %dma_wait3A_241 = arith.constant 0 : i32
          %dma_wait3A_242 = tpu.memref_slice %arg2[%dma_wait3A_240, %dma_wait3A_241] : memref<100000x64xbf16, #tpu.memory_space<hbm>> -> memref<32x64xbf16, #tpu.memory_space<hbm>>
          tpu.wait_dma2 semaphore(%arg15 : memref<!tpu.dma_semaphore, #tpu.memory_space<semaphore_mem>>) src(%dma_wait3A_242 : memref<32x64xbf16, #tpu.memory_space<hbm>>) dst(%dma_wait3A_239 : memref<32x64xbf16, #tpu.memory_space<vmem>>)
        } else {
        }
        %gt3A_191 = arith.constant 104 : i32
        %gt3A_192 = arith.cmpi sgt, %get3A_168, %gt3A_191 : i32
        %convert_element_type3A_193 = arith.extui %gt3A_192 : i1 to i32
        %cond3A_194 = arith.constant 0 : i32
        %cond3A_195 = arith.cmpi ne, %convert_element_type3A_193, %cond3A_194 : i32
        scf.if %cond3A_195 {
          %dma_wait3A_231 = arith.constant 104 : i32
          %dma_wait3A_232 = arith.constant 0 : i32
          %dma_wait3A_233 = tpu.memref_slice %arg9[%dma_wait3A_231, %dma_wait3A_232] : memref<200x64xbf16, #tpu.memory_space<vmem>> -> memref<96x64xbf16, #tpu.memory_space<vmem>>
          %dma_wait3A_234 = arith.constant 0 : i32
          %dma_wait3A_235 = arith.constant 0 : i32
          %dma_wait3A_236 = tpu.memref_slice %arg2[%dma_wait3A_234, %dma_wait3A_235] : memref<100000x64xbf16, #tpu.memory_space<hbm>> -> memref<96x64xbf16, #tpu.memory_space<hbm>>
          %dma_wait3A_237 = arith.constant 104 : i32
          %dma_wait3A_238 = arith.constant 0 : i32
          %dma_wait3A_239 = tpu.memref_slice %arg9[%dma_wait3A_237, %dma_wait3A_238] : memref<200x64xbf16, #tpu.memory_space<vmem>> -> memref<96x64xbf16, #tpu.memory_space<vmem>>
          %dma_wait3A_240 = arith.constant 0 : i32
          %dma_wait3A_241 = arith.constant 0 : i32
          %dma_wait3A_242 = tpu.memref_slice %arg2[%dma_wait3A_240, %dma_wait3A_241] : memref<100000x64xbf16, #tpu.memory_space<hbm>> -> memref<96x64xbf16, #tpu.memory_space<hbm>>
          tpu.wait_dma2 semaphore(%arg15 : memref<!tpu.dma_semaphore, #tpu.memory_space<semaphore_mem>>) src(%dma_wait3A_242 : memref<96x64xbf16, #tpu.memory_space<hbm>>) dst(%dma_wait3A_239 : memref<96x64xbf16, #tpu.memory_space<vmem>>)
        } else {
        }
        %add3A_196 = arith.constant 1 : i32
        %add3A_197 = arith.addi %mul3A_72, %add3A_196 : i32
        %get3A_198 = arith.index_cast %add3A_197 : i32 to index
        %get3A_199 = memref.load %arg12[%get3A_198] : memref<32xi32, #tpu.memory_space<smem>>
        %broadcast_in_dim3A_200 = arith.constant 0.000000e+00 : f32
        %broadcast_in_dim3A_201 = vector.broadcast %broadcast_in_dim3A_200 : f32 to vector<16xf32>
        %broadcast_in_dim3A_202 = arith.constant 0.000000e+00 : f32
        %broadcast_in_dim3A_203 = vector.broadcast %broadcast_in_dim3A_202 : f32 to vector<16xf32>
        %broadcast_in_dim3A_204 = arith.constant 0.000000e+00 : f32
        %broadcast_in_dim3A_205 = vector.broadcast %broadcast_in_dim3A_204 : f32 to vector<16xf32>
        %broadcast_in_dim3A_206 = arith.constant 0.000000e+00 : f32
        %broadcast_in_dim3A_207 = vector.broadcast %broadcast_in_dim3A_206 : f32 to vector<16xf32>
        %while3A_208 = arith.constant 0 : i32
        %while3A_209 = arith.subi %get3A_199, %while3A_208 : i32
        %while3A_210 = arith.addi %while3A_208, %while3A_209 : i32
        %while3A_211 = arith.constant 1 : i32
        %while3A_212 = arith.divsi %while3A_209, %while3A_211 : i32
        %while3A_213 = arith.muli %while3A_212, %while3A_211 : i32
        %while3A_214 = arith.addi %while3A_208, %while3A_213 : i32
        %while3A_215 = arith.constant 1 : i32
        %while3A_216:4 = scf.for %while3A_231 = %while3A_208 to %while3A_214 step %while3A_215 iter_args(%while3A_232 = %broadcast_in_dim3A_201, %while3A_233 = %broadcast_in_dim3A_203, %while3A_234 = %broadcast_in_dim3A_205, %while3A_235 = %broadcast_in_dim3A_207) -> (vector<16xf32>, vector<16xf32>, vector<16xf32>, vector<16xf32>)  : i32 {
          %get3A_236 = arith.index_cast %while3A_231 : i32 to index
          %get3A_237 = arith.constant 0 : index
          %get3A_238 = tpu.vector_load %arg9[%get3A_236, %get3A_237] {strides = array<i32>} : memref<200x64xbf16, #tpu.memory_space<vmem>>, vector<32xbf16>,
          %unpack3A = tpu.unpack_subelements %get3A_238, 0 {pack_format = #tpu.pack_format<interleaved>} : vector<32xbf16> -> vector<16xf32>
          %unpack3A_239 = tpu.unpack_subelements %get3A_238, 1 {pack_format = #tpu.pack_format<interleaved>} : vector<32xbf16> -> vector<16xf32>
          %get3A_240 = arith.index_cast %while3A_231 : i32 to index
          %get3A_241 = arith.constant 32 : index
          %get3A_242 = tpu.vector_load %arg9[%get3A_240, %get3A_241] {strides = array<i32>} : memref<200x64xbf16, #tpu.memory_space<vmem>>, vector<32xbf16>,
          %unpack3A_243 = tpu.unpack_subelements %get3A_242, 0 {pack_format = #tpu.pack_format<interleaved>} : vector<32xbf16> -> vector<16xf32>
          %unpack3A_244 = tpu.unpack_subelements %get3A_242, 1 {pack_format = #tpu.pack_format<interleaved>} : vector<32xbf16> -> vector<16xf32>
          %add3A_245 = arith.addf %while3A_232, %unpack3A : vector<16xf32>
          %add3A_246 = arith.addf %while3A_233, %unpack3A_239 : vector<16xf32>
          %add3A_247 = arith.addf %while3A_234, %unpack3A_243 : vector<16xf32>
          %add3A_248 = arith.addf %while3A_235, %unpack3A_244 : vector<16xf32>
          scf.yield %add3A_245, %add3A_246, %add3A_247, %add3A_248 : vector<16xf32>, vector<16xf32>, vector<16xf32>, vector<16xf32>
        }
        %while3A_217 = arith.constant 1 : i32
        %while3A_218:4 = scf.for %while3A_231 = %while3A_214 to %while3A_210 step %while3A_217 iter_args(%while3A_232 = %while3A_216#0, %while3A_233 = %while3A_216#1, %while3A_234 = %while3A_216#2, %while3A_235 = %while3A_216#3) -> (vector<16xf32>, vector<16xf32>, vector<16xf32>, vector<16xf32>)  : i32 {
          %get3A_236 = arith.index_cast %while3A_231 : i32 to index
          %get3A_237 = arith.constant 0 : index
          %get3A_238 = tpu.vector_load %arg9[%get3A_236, %get3A_237] {strides = array<i32>} : memref<200x64xbf16, #tpu.memory_space<vmem>>, vector<32xbf16>,
          %unpack3A = tpu.unpack_subelements %get3A_238, 0 {pack_format = #tpu.pack_format<interleaved>} : vector<32xbf16> -> vector<16xf32>
          %unpack3A_239 = tpu.unpack_subelements %get3A_238, 1 {pack_format = #tpu.pack_format<interleaved>} : vector<32xbf16> -> vector<16xf32>
          %get3A_240 = arith.index_cast %while3A_231 : i32 to index
          %get3A_241 = arith.constant 32 : index
          %get3A_242 = tpu.vector_load %arg9[%get3A_240, %get3A_241] {strides = array<i32>} : memref<200x64xbf16, #tpu.memory_space<vmem>>, vector<32xbf16>,
          %unpack3A_243 = tpu.unpack_subelements %get3A_242, 0 {pack_format = #tpu.pack_format<interleaved>} : vector<32xbf16> -> vector<16xf32>
          %unpack3A_244 = tpu.unpack_subelements %get3A_242, 1 {pack_format = #tpu.pack_format<interleaved>} : vector<32xbf16> -> vector<16xf32>
          %add3A_245 = arith.addf %while3A_232, %unpack3A : vector<16xf32>
          %add3A_246 = arith.addf %while3A_233, %unpack3A_239 : vector<16xf32>
          %add3A_247 = arith.addf %while3A_234, %unpack3A_243 : vector<16xf32>
          %add3A_248 = arith.addf %while3A_235, %unpack3A_244 : vector<16xf32>
          scf.yield %add3A_245, %add3A_246, %add3A_247, %add3A_248 : vector<16xf32>, vector<16xf32>, vector<16xf32>, vector<16xf32>
        }
        %swap3A_219 = arith.index_cast %add3A_197 : i32 to index
        %swap3A_220 = arith.constant 0 : index
        %swap3A_221 = tpu.vector_load %arg11[%swap3A_219, %swap3A_220] {strides = array<i32>} : memref<32x64xf32, #tpu.memory_space<vmem>>, vector<16xf32>,
        tpu.vector_store %arg11[%swap3A_219, %swap3A_220], %while3A_218#0 {strides = array<i32>} : memref<32x64xf32, #tpu.memory_space<vmem>>, vector<16xf32>,
        %swap3A_222 = arith.index_cast %add3A_197 : i32 to index
        %swap3A_223 = arith.constant 16 : index
        %swap3A_224 = tpu.vector_load %arg11[%swap3A_222, %swap3A_223] {strides = array<i32>} : memref<32x64xf32, #tpu.memory_space<vmem>>, vector<16xf32>,
        tpu.vector_store %arg11[%swap3A_222, %swap3A_223], %while3A_218#1 {strides = array<i32>} : memref<32x64xf32, #tpu.memory_space<vmem>>, vector<16xf32>,
        %swap3A_225 = arith.index_cast %add3A_197 : i32 to index
        %swap3A_226 = arith.constant 32 : index
        %swap3A_227 = tpu.vector_load %arg11[%swap3A_225, %swap3A_226] {strides = array<i32>} : memref<32x64xf32, #tpu.memory_space<vmem>>, vector<16xf32>,
        tpu.vector_store %arg11[%swap3A_225, %swap3A_226], %while3A_218#2 {strides = array<i32>} : memref<32x64xf32, #tpu.memory_space<vmem>>, vector<16xf32>,
        %swap3A_228 = arith.index_cast %add3A_197 : i32 to index
        %swap3A_229 = arith.constant 48 : index
        %swap3A_230 = tpu.vector_load %arg11[%swap3A_228, %swap3A_229] {strides = array<i32>} : memref<32x64xf32, #tpu.memory_space<vmem>>, vector<16xf32>,
        tpu.vector_store %arg11[%swap3A_228, %swap3A_229], %while3A_218#3 {strides = array<i32>} : memref<32x64xf32, #tpu.memory_space<vmem>>, vector<16xf32>,
      }
      %scan3A_60 = arith.constant 16 : i32
      %mul3A_61 = arith.constant 256 : i32
      %mul3A_62 = arith.muli %arg1, %mul3A_61 : i32
      %mul3A_63 = arith.constant 32 : i32
      %mul3A_64 = arith.muli %add3A_17, %mul3A_63 : i32
      %add3A_65 = arith.addi %mul3A_62, %mul3A_64 : i32
      "tpu.region"() ({
        %run_scoped3A = tpu.sem_alloc : memref<!tpu.dma_semaphore, #tpu.memory_space<semaphore_mem>>
        %dma_start3A_66 = arith.constant 0 : i32
        %dma_start3A_67 = tpu.memref_slice %arg5[%arg0, %add3A_65, %dma_start3A_66] : memref<2x4096x64xf32, #tpu.memory_space<hbm>> -> memref<1x32x64xf32, #tpu.memory_space<hbm>>
        %dma_start3A_68 = tpu.memref_squeeze %dma_start3A_67 : memref<1x32x64xf32, #tpu.memory_space<hbm>> -> memref<32x64xf32, #tpu.memory_space<hbm>>
        %dma_start3A_69 = arith.constant 0 : i32
        %dma_start3A_70 = tpu.memref_slice %arg5[%arg0, %add3A_65, %dma_start3A_69] : memref<2x4096x64xf32, #tpu.memory_space<hbm>> -> memref<1x32x64xf32, #tpu.memory_space<hbm>>
        %dma_start3A_71 = tpu.memref_squeeze %dma_start3A_70 : memref<1x32x64xf32, #tpu.memory_space<hbm>> -> memref<32x64xf32, #tpu.memory_space<hbm>>
        tpu.enqueue_dma source(%arg11 : memref<32x64xf32, #tpu.memory_space<vmem>>) target(%dma_start3A_71 : memref<32x64xf32, #tpu.memory_space<hbm>>) target_semaphore(%run_scoped3A : memref<!tpu.dma_semaphore, #tpu.memory_space<semaphore_mem>>)
        %dma_wait3A = arith.constant 0 : i32
        %dma_wait3A_72 = tpu.memref_slice %arg5[%arg0, %add3A_65, %dma_wait3A] : memref<2x4096x64xf32, #tpu.memory_space<hbm>> -> memref<1x32x64xf32, #tpu.memory_space<hbm>>
        %dma_wait3A_73 = tpu.memref_squeeze %dma_wait3A_72 : memref<1x32x64xf32, #tpu.memory_space<hbm>> -> memref<32x64xf32, #tpu.memory_space<hbm>>
        %dma_wait3A_74 = arith.constant 0 : i32
        %dma_wait3A_75 = tpu.memref_slice %arg5[%arg0, %add3A_65, %dma_wait3A_74] : memref<2x4096x64xf32, #tpu.memory_space<hbm>> -> memref<1x32x64xf32, #tpu.memory_space<hbm>>
        %dma_wait3A_76 = tpu.memref_squeeze %dma_wait3A_75 : memref<1x32x64xf32, #tpu.memory_space<hbm>> -> memref<32x64xf32, #tpu.memory_space<hbm>>
        tpu.wait_dma2 semaphore(%run_scoped3A : memref<!tpu.dma_semaphore, #tpu.memory_space<semaphore_mem>>) src(%arg11 : memref<32x64xf32, #tpu.memory_space<vmem>>) dst(%dma_wait3A_76 : memref<32x64xf32, #tpu.memory_space<hbm>>)
        tpu.yield
      }) : () -> ()
    }
    %scan3A_13 = arith.constant 8 : i32
    return
  }
}

module attributes {stable_mosaic.version = 14 : i64} {
  func.func @_tc_finish_body(%arg0: memref<2x4096x64xf32, #tpu.memory_space<vmem>>, %arg1: memref<4096x200xi32, #tpu.memory_space<vmem>>, %arg2: memref<1x64xf32, #tpu.memory_space<vmem>>, %arg3: memref<1x64xf32, #tpu.memory_space<vmem>>, %arg4: memref<4096x64xf32, #tpu.memory_space<vmem>>) attributes {dimension_semantics = [], scalar_prefetch = 0 : i64, scratch_operands = 0 : i64, tpu.core_type = #tpu.core_type<tc>} {
    %get3A = arith.constant 0 : index
    %get3A_0 = arith.constant 0 : index
    %get3A_1 = vector.load %arg1[%get3A, %get3A_0] : memref<4096x200xi32, #tpu.memory_space<vmem>>, vector<4096x200xi32>
    %convert_element_type3A = arith.sitofp %get3A_1 : vector<4096x200xi32> to vector<4096x200xf32>
    %reduce_sum3A = arith.constant dense<0.000000e+00> : vector<4096xf32>
    %reduce_sum3A_2 = vector.multi_reduction <add>, %convert_element_type3A, %reduce_sum3A [1] : vector<4096x200xf32> to vector<4096xf32>
    %broadcast_in_dim3A = vector.shape_cast %reduce_sum3A_2 : vector<4096xf32> to vector<4096x1xf32>
    %get3A_3 = arith.constant 0 : index
    %get3A_4 = arith.constant 0 : index
    %get3A_5 = arith.constant 0 : index
    %get3A_6 = vector.load %arg0[%get3A_3, %get3A_4, %get3A_5] : memref<2x4096x64xf32, #tpu.memory_space<vmem>>, vector<1x4096x64xf32>
    %get3A_7 = vector.shape_cast %get3A_6 : vector<1x4096x64xf32> to vector<4096x64xf32>
    %get3A_8 = arith.constant 1 : index
    %get3A_9 = arith.constant 0 : index
    %get3A_10 = arith.constant 0 : index
    %get3A_11 = vector.load %arg0[%get3A_8, %get3A_9, %get3A_10] : memref<2x4096x64xf32, #tpu.memory_space<vmem>>, vector<1x4096x64xf32>
    %get3A_12 = vector.shape_cast %get3A_11 : vector<1x4096x64xf32> to vector<4096x64xf32>
    %add3A = arith.addf %get3A_7, %get3A_12 : vector<4096x64xf32>
    %max3A = arith.constant 1.000000e+00 : f32
    %max3A_13 = vector.broadcast %max3A : f32 to vector<4096x1xf32>
    %max3A_14 = arith.maximumf %broadcast_in_dim3A, %max3A_13 : vector<4096x1xf32>
    %div3A = vector.broadcast %max3A_14 : vector<4096x1xf32> to vector<4096x64xf32>
    %div3A_15 = arith.divf %add3A, %div3A : vector<4096x64xf32>
    %get3A_16 = arith.constant 0 : index
    %get3A_17 = arith.constant 0 : index
    %get3A_18 = vector.load %arg2[%get3A_16, %get3A_17] : memref<1x64xf32, #tpu.memory_space<vmem>>, vector<1x64xf32>
    %get3A_19 = arith.constant 0 : index
    %get3A_20 = arith.constant 0 : index
    %get3A_21 = vector.load %arg3[%get3A_19, %get3A_20] : memref<1x64xf32, #tpu.memory_space<vmem>>, vector<1x64xf32>
    %reduce_sum3A_22 = arith.constant dense<0.000000e+00> : vector<4096xf32>
    %reduce_sum3A_23 = vector.multi_reduction <add>, %div3A_15, %reduce_sum3A_22 [1] : vector<4096x64xf32> to vector<4096xf32>
    %broadcast_in_dim3A_24 = vector.shape_cast %reduce_sum3A_23 : vector<4096xf32> to vector<4096x1xf32>
    %div3A_25 = arith.constant 6.400000e+01 : f32
    %div3A_26 = vector.broadcast %div3A_25 : f32 to vector<4096x1xf32>
    %div3A_27 = arith.divf %broadcast_in_dim3A_24, %div3A_26 : vector<4096x1xf32>
    %sub3A = vector.broadcast %div3A_27 : vector<4096x1xf32> to vector<4096x64xf32>
    %sub3A_28 = arith.subf %div3A_15, %sub3A : vector<4096x64xf32>
    %mul3A = arith.mulf %sub3A_28, %sub3A_28 : vector<4096x64xf32>
    %reduce_sum3A_29 = arith.constant dense<0.000000e+00> : vector<4096xf32>
    %reduce_sum3A_30 = vector.multi_reduction <add>, %mul3A, %reduce_sum3A_29 [1] : vector<4096x64xf32> to vector<4096xf32>
    %broadcast_in_dim3A_31 = vector.shape_cast %reduce_sum3A_30 : vector<4096xf32> to vector<4096x1xf32>
    %div3A_32 = arith.constant 6.400000e+01 : f32
    %div3A_33 = vector.broadcast %div3A_32 : f32 to vector<4096x1xf32>
    %div3A_34 = arith.divf %broadcast_in_dim3A_31, %div3A_33 : vector<4096x1xf32>
    %add3A_35 = arith.constant 9.99999974E-6 : f32
    %add3A_36 = vector.broadcast %add3A_35 : f32 to vector<4096x1xf32>
    %add3A_37 = arith.addf %div3A_34, %add3A_36 : vector<4096x1xf32>
    %rsqrt3A = math.rsqrt %add3A_37 : vector<4096x1xf32>
    %mul3A_38 = vector.broadcast %rsqrt3A : vector<4096x1xf32> to vector<4096x64xf32>
    %mul3A_39 = arith.mulf %sub3A_28, %mul3A_38 : vector<4096x64xf32>
    %mul3A_40 = vector.broadcast %get3A_18 : vector<1x64xf32> to vector<4096x64xf32>
    %mul3A_41 = arith.mulf %mul3A_39, %mul3A_40 : vector<4096x64xf32>
    %add3A_42 = vector.broadcast %get3A_21 : vector<1x64xf32> to vector<4096x64xf32>
    %add3A_43 = arith.addf %mul3A_41, %add3A_42 : vector<4096x64xf32>
    %mul3A_44 = arith.mulf %add3A_43, %add3A_43 : vector<4096x64xf32>
    %reduce_sum3A_45 = arith.constant dense<0.000000e+00> : vector<4096xf32>
    %reduce_sum3A_46 = vector.multi_reduction <add>, %mul3A_44, %reduce_sum3A_45 [1] : vector<4096x64xf32> to vector<4096xf32>
    %broadcast_in_dim3A_47 = vector.shape_cast %reduce_sum3A_46 : vector<4096xf32> to vector<4096x1xf32>
    %sqrt3A = math.sqrt %broadcast_in_dim3A_47 : vector<4096x1xf32>
    %max3A_48 = arith.constant 9.99999996E-13 : f32
    %max3A_49 = vector.broadcast %max3A_48 : f32 to vector<4096x1xf32>
    %max3A_50 = arith.maximumf %sqrt3A, %max3A_49 : vector<4096x1xf32>
    %div3A_51 = vector.broadcast %max3A_50 : vector<4096x1xf32> to vector<4096x64xf32>
    %div3A_52 = arith.divf %add3A_43, %div3A_51 : vector<4096x64xf32>
    %swap3A = arith.constant 0 : index
    %swap3A_53 = arith.constant 0 : index
    %swap3A_54 = vector.load %arg4[%swap3A, %swap3A_53] : memref<4096x64xf32, #tpu.memory_space<vmem>>, vector<4096x64xf32>
    tpu.vector_store %arg4[%swap3A, %swap3A_53], %div3A_52 {strides = array<i32>} : memref<4096x64xf32, #tpu.memory_space<vmem>>, vector<4096x64xf32>,
    return
  }
}

</mosaic_0001>

<sc_bundles>
// kernel: kernel.4.cloned.1.call-start
scs
__scs_entry_jumppad:
0x0: {  	(pc) =	sbr.rel $0x88, $3  }
0x1: {  	(tag) =	ssettag $0x0;
	lr =	simm.s32 $0x1  }
0x2: {  	[smem:$0x3F9C] =	sst lr;
	_ =	strace $0xD0000000  }
0x3: {  	_ = 	snop  }
0x4: {  	_ = 	snop  }
0x5: {  	_ = 	snop  }
0x6: {  	_ = 	snop  }
0x7: {  	_ = 	snop  }
__scs_overlays_trampoline_lowered:
0x8: {  	[smem:$0x3FAB] =	sst s0  }
0x9: {  	[smem:$0x3FAC] =	sst s1  }
0xa: {  	[smem:$0x3FAD] =	sst s2  }
0xb: {  	[smem:$0x3FAE] =	sst s3  }
0xc: {  	[smem:$0x3FAF] =	sst s4  }
0xd: {  	[smem:$0x3FB0] =	sst s5  }
0xe: {  	[smem:$0x3FB1] =	sst s6  }
0xf: {  	[smem:$0x3FB2] =	sst s7  }
0x10: {  	[smem:$0x3FB3] =	sst s8  }
0x11: {  	[smem:$0x3FB4] =	sst s9;
	s0 =	simm.s32 @!p0 $0x0  }
0x12: {  	s1 =	sld [smem:$0x3F9A];
	s0 =	simm.s32 @p0 $0x1  }
0x13: {  	[smem:$0x3FB5] =	sst s0;
	s0 =	simm.s32 @!p1 $0x0  }
0x14: {  	s2 =	sld [smem:$0x3F99];
	s0 =	simm.s32 @p1 $0x1  }
0x15: {  	[smem:$0x3FB6] =	sst s0;
	s0 =	simm.s32 @!p2 $0x0  }
0x16: {  	s3 =	sld [smem:$0x3FDB];
	s0 =	simm.s32 @p2 $0x1  }
0x17: {  	s4 =	simm.s32 $0x1BF5;
	[smem:$0x3FB8] =	sst s0  }
0x18: {  	s0 =	sld [smem:$0x3F9B];
	_ =	swait.ge [sflag:s4], $0x0  }
0x19: {  	s7 =	sld [smem:$0x3F9C]  }
0x1a: {  	s8 =	sadd.s32 $0xFFFFE003, lr  }
0x1b: {  	s9 =	sadd.s32 $0xFFFFFEF7, lr;
	s5 =	simm.s32 $0xFFFFFFFF;
	p2 =	slt.u32 s8, $0xFFFFF086  }
0x1c: {  	p1 =	slt.u32 s9, $0xF7A;
	s5 =	simm.s32 @!p2 $0x0  }
0x1d: {  	s5 =	simm.s32 @p1 $0x1;
	p0 =	seq.s32 s7, s2  }
0x1e: {  	s7 =	smul.u32 @!p0 $0xF7A, s2;
	p2 =	seq.s32 @!p0 s5, $0x0  }
0x1f: {  	s9 =	smul.u32 $0xF7A, s1;
	s8 =	simm.s32 @!p0 $0x1BF5;
	p2 =	por !p2, p0  }
0x20: {  	[sflag:s8] =	ssyncset.s32 @!p0 $0xFFFFF086;
	s6 =	sadd.s32 @!p0 s3, s7;
	s7 =	simm.s32 @!p0 $0x108  }
0x21: {  	s3 =	sadd.s32 s3, s9;
	s6 =	sadd.s32 @!p0 $0x88, s6;
	s7 =	simm.s32 @p2 $0x1082  }
0x22: {  	[simem:s7], [sflag:s8] =	dma.local @!p0 [hbm:s6], $0xF7A  }
0x23: {  	s9 =	sor.u32 $0xD0000000, s2;
	s6 =	simm.s32 $0x108;
	_ =	swait.ge @!p0 [sflag:s8], $0x0  }
0x24: {  	s3 =	sadd.s32 $0x88, s3;
	s6 =	simm.s32 @!p1 $0x1082;
	[sflag:s4] =	ssyncset.s32 $0xFFFFF086  }
0x25: {  	[simem:s6], [sflag:s4] =	dma.local [hbm:s3], $0xF7A  }
0x26: {  	[smem:$0x3F9C] =	sst s1;
	(tag) =	ssettag s2;
	_ =	strace s9  }
0x27: {  	s1 =	sld [smem:$0x3FAC]  }
0x28: {  	s2 =	sld [smem:$0x3FAD]  }
0x29: {  	s4 =	sld [smem:$0x3FAF]  }
0x2a: {  	p0 =	seq.s32 s5, $0x0;
	s5 =	sld [smem:$0x3FB0]  }
0x2b: {  	s6 =	sld [smem:$0x3FB1]  }
0x2c: {  	s7 =	sld [smem:$0x3FB2]  }
0x2d: {  	s3 =	simm.s32 $0x108;
	s8 =	sld [smem:$0x3FB3]  }
0x2e: {  	s3 =	simm.s32 @!p0 $0x1082;
	s9 =	sld [smem:$0x3FB4]  }
0x2f: {  	lr =	sadd.s32 s0, s3;
	s0 =	sld [smem:$0x3FAB]  }
0x30: {  	s3 =	sld [smem:$0x3FAE]  }
0x31: {  	[smem:$0x3FB7] =	sst s10  }
0x32: {  	s10 =	sld [smem:$0x3FB5];
	_ =	sdelay $0x3  }
0x33: {  	p0 =	seq.s32 s10, $0x1;
	s10 =	sld [smem:$0x3FB7];
	_ =	sdelay $0x3  }
0x34: {  	[smem:$0x3FB7] =	sst s10  }
0x35: {  	s10 =	sld [smem:$0x3FB6];
	_ =	sdelay $0x3  }
0x36: {  	p1 =	seq.s32 s10, $0x1;
	s10 =	sld [smem:$0x3FB7];
	_ =	sdelay $0x3  }
0x37: {  	[smem:$0x3FB7] =	sst s10  }
0x38: {  	s10 =	sld [smem:$0x3FB8]  }
0x39: {  	_ = 	snop;
	(pc) =	sbr.ind lr, $3  }
0x3a: {  	_ = 	snop  }
0x3b: {  	_ = 	snop  }
0x3c: {  	p2 =	seq.s32 s10, $0x1;
	s10 =	sld [smem:$0x3FB7]  }
0x3d: {  	_ =	shalt  }
0x3e: {  	_ =	shalt  }
0x3f: {  	_ =	shalt  }
0x40: {  	_ =	shalt  }
0x41: {  	_ =	shalt  }
0x42: {  	_ =	shalt  }
0x43: {  	_ =	shalt  }
0x44: {  	_ =	shalt  }
0x45: {  	_ =	shalt  }
0x46: {  	_ =	shalt  }
0x47: {  	_ =	shalt  }
0x48: {  	_ =	shalt  }
0x49: {  	_ =	shalt  }
0x4a: {  	_ =	shalt  }
0x4b: {  	_ =	shalt  }
0x4c: {  	_ =	shalt  }
0x4d: {  	_ =	shalt  }
0x4e: {  	_ =	shalt  }
0x4f: {  	_ =	shalt  }
0x50: {  	_ =	shalt  }
0x51: {  	_ =	shalt  }
0x52: {  	_ =	shalt  }
0x53: {  	_ =	shalt  }
0x54: {  	_ =	shalt  }
0x55: {  	_ =	shalt  }
0x56: {  	_ =	shalt  }
0x57: {  	_ =	shalt  }
0x58: {  	_ =	shalt  }
0x59: {  	_ =	shalt  }
0x5a: {  	_ =	shalt  }
0x5b: {  	_ =	shalt  }
0x5c: {  	_ =	shalt  }
0x5d: {  	_ =	shalt  }
0x5e: {  	_ =	shalt  }
0x5f: {  	_ =	shalt  }
0x60: {  	_ =	shalt  }
0x61: {  	_ =	shalt  }
0x62: {  	_ =	shalt  }
0x63: {  	_ =	shalt  }
0x64: {  	_ =	shalt  }
0x65: {  	_ =	shalt  }
0x66: {  	_ =	shalt  }
0x67: {  	_ =	shalt  }
0x68: {  	_ =	shalt  }
0x69: {  	_ =	shalt  }
0x6a: {  	_ =	shalt  }
0x6b: {  	_ =	shalt  }
0x6c: {  	_ =	shalt  }
0x6d: {  	_ =	shalt  }
0x6e: {  	_ =	shalt  }
0x6f: {  	_ =	shalt  }
0x70: {  	_ =	shalt  }
0x71: {  	_ =	shalt  }
0x72: {  	_ =	shalt  }
0x73: {  	_ =	shalt  }
0x74: {  	_ =	shalt  }
0x75: {  	_ =	shalt  }
0x76: {  	_ =	shalt  }
0x77: {  	_ =	shalt  }
0x78: {  	_ =	shalt  }
0x79: {  	_ =	shalt  }
0x7a: {  	_ =	shalt  }
0x7b: {  	_ =	shalt  }
0x7c: {  	_ =	shalt  }
0x7d: {  	_ =	shalt  }
0x7e: {  	_ =	shalt  }
0x7f: {  	_ =	shalt  }
0x80: {  	_ =	shalt  }
0x81: {  	_ =	shalt  }
0x82: {  	_ =	shalt  }
0x83: {  	_ =	shalt  }
0x84: {  	_ =	shalt  }
0x85: {  	_ =	shalt  }
0x86: {  	_ =	shalt  }
0x87: {  	_ =	shalt  }
.Lfunc_end0:
.L_simem_size_0:
called_computation_lowered:
.L_overlay_start_0:
0x88: {  	s2 =	sld [smem:$0x3FD9]  }
0x89: {  	s3 =	sld [smem:$0x3FFE];
	_ =	sdelay $0x1  }
0x8a: {  	s1 =	srdreg.scid  }
0x8b: {  	s0 =	sand.u32 $0x1, s1  }
0x8c: {  	s16 =	sshll.u32 s0, $0xA;
	s2 =	sadd.s32 s3, s2  }
0x8d: {  	s2 =	sadd.s32 s2, s16  }
0x8e: {  	[smem:$0x3FC3] =	sst s2  }
0x8f: {  	_ = 	snop  }
0x90: {  	(tm) =	ssettm $0x1  }
0x91: {  	s17 =	sld [smem:$0x3FFB];
	_ =	sdelay $0x3  }
0x92: {  	_ =	strace s17  }
0x93: {  	s2 =	sld [smem:$0x3FFC];
	_ =	sdelay $0x3  }
0x94: {  	_ =	strace s2  }
0x95: {  	s2 =	sld [smem:$0x3FFD];
	_ =	sdelay $0x3  }
0x96: {  	_ =	strace s2  }
0x97: {  	_ =	strace $0x8FFFFFFF  }
0x98: {  	s18 =	sld [smem:$0x3FDB];
	_ =	sdelay $0x1  }
0x99: {  	s19 =	simm.s32 $_scs_section_size  }
0x9a: {  	s4 =	simm.s32 $_size__tile_overlayer_lowered;
	s5 =	simm.s32 $_tile_overlayer_lowered  }
0x9b: {  	s22 =	simm.s32 $0x1BFF;
	s21 =	sshll.u32 s5, $0x1;
	s2 =	sadd.s32 s19, s18  }
0x9c: {  	s6 =	simm.s32 $0x0;
	s20 =	sshll.u32 s4, $0x1;
	s4 =	sadd.s32 s21, s2  }
0x9d: {  	[timem:s6], [sflag:s22] =	dma.local [hbm:s4], s20  }
0x9e: {  	_ =	swait.ge [sflag:s22], s20  }
0x9f: {  	s3 =	ssub.s32 $0x0, s20;
	[sflag:s22] =	ssyncset.done $0x0  }
0xa0: {  	[sflag:s22] =	ssyncadd.s32 s3;
	_ =	sdelay $0x1  }
0xa1: {  	s23 =	simm.s32 $0x1B8B  }
0xa2: {  	_ =	swait.ge [sflag:s23], $0x1  }
0xa3: {  	[sflag:s23] =	ssyncset.done $0x0  }
0xa4: {  	s25 =	simm.s32 $0x1B8E;
	s24 =	sld [smem:$0x3FFE];
	[sflag:s23] =	ssyncadd.s32 $0xFFFFFFFF  }
0xa5: {  	s26 =	simm.s32 $execute0_lowered;
	[smem:$0x3FD2] =	sst s25  }
0xa6: {  	s4 =	sshll.u32 s26, $0x1;
	_ =	strace $0x80000046;
	[dreg:$0x1] =	wrdreg $0xFFFFFFFF  }
0xa7: {  	s28 =	simm.s32 $_size_execute0_lowered;
	s2 =	sadd.s32 s2, s4;
	[dreg:$0x0] =	wrdreg $0x0  }
0xa8: {  	s4 =	sshll.u32 s28, $0x1;
	[dreg:$0x2] =	wrdreg s2  }
0xa9: {  	[dreg:$0x3] =	wrdreg s4  }
0xaa: {  	[dreg:$0x4] =	wrdreg $0xC0  }
0xab: {  	_ =	task [dreg:s6], $0x5FFFF  }
0xac: {  	[dreg:$0x1] =	wrdreg $0xFFFFFFFF  }
0xad: {  	[dreg:$0x0] =	wrdreg $0x60  }
0xae: {  	[dreg:$0x2] =	wrdreg s24  }
0xaf: {  	[dreg:$0x3] =	wrdreg $0x60900  }
0xb0: {  	[dreg:$0x4] =	wrdreg $0x9  }
0xb1: {  	_ =	task.clear_ibuf [dreg:s6], $0x5FFFF;
	_ =	strace $0x90000046  }
0xb2: {  	s29 =	simm.s32 $0x9;
	_ =	strace $0x80000048  }
0xb3: {  	_ =	swait.ge [sflag:s29], $0x1  }
0xb4: {  	[sflag:s29] =	ssyncadd.s32 $0xFFFFFFFF  }
0xb5: {  	_ =	strace $0x90000048  }
0xb6: {  	_ =	sfence  }
0xb7: {  	s30 =	sld [smem:$0x0];
	_ =	sdelay $0x2  }
0xb8: {  	s31 =	sshll.u32 s1, $0xD;
	s1 =	sshrl.u32 s1, $0x2  }
0xb9: {  	s3 =	sand.u32 $0x4000, s31;
	s1 =	sadd.s32 s1, s30  }
0xba: {  	s0 =	sor.u32 s3, s0;
	s1 =	sshll.u32 s1, $0x11  }
0xbb: {  	s0 =	sor.u32 s1, s0  }
0xbc: {  	s0 =	sadd.s32 $0x8F2B, s0  }
0xbd: {  	[sflag:s0] =	ssyncadd.remote.s32 $0x1  }
0xbe: {  	_ =	sfence.sel $0xFFFF  }
0xbf: {  	[dreg:$0x0] =	wrdreg $0xFFFFFFFF;
	(pc) =	sbr.abs _section_cstart, $3  }
0xc0: {  	[dreg:$0x1] =	wrdreg $0xFFFFFFFF  }
0xc1: {  	_ =	task.clear_ibuf [dreg:s6], $0x2FFFF;
	_ =	strace $0x9FFFFFFF  }
0xc2: {  	(tm) =	ssettm $0x7FFFFFFF  }
0xc3: {  	_ =	shalt  }
tec
execute0_lowered:
.L_overlay_start_1:
0x0: {  	(tag) =	ssettag $0x1  }
0x1: {  	s7 =	rddreg [dreg:$0x0]  }
0x2: {  	s1 =	rddreg [dreg:$0x1]  }
0x3: {  	s0 =	rddreg [dreg:$0x2];
	s2 =	simm.s32 $0x0;
	s5 =	srdreg.scid  }
0x4: {  	s9 =	stileid.u32;
	s13 =	simm.s32 $0x4;
	s14 =	simm.s32 $0x1910  }
0x5: {  	s15 =	simm.s32 $0x38;
	s16 =	simm.s32 $0x2590;
	s17 =	simm.s32 $0x3E90  }
0x6: {  	s18 =	simm.s32 $0x1;
	s20 =	simm.s32 $0x5890;
	s21 =	simm.s32 $0x0  }
0x7: {  	[smem:$0x7FF] =	sst s2;
	s3 =	sadd.s32 $0xC00, s7;
	s4 =	sadd.s32 $0x62800, s7  }
0x8: {  	s8 =	sand.u32 $0x1, s5;
	s5 =	sadd.s32 $0x7B800, s7;
	s11 =	sshll.u32 s9, $0xB  }
0x9: {  	s6 =	smul.u32 $0xC800, s9;
	p1 =	sne.s32 s9, $0x0;
	_ =	strace $0x80000047  }
0xa: {  	s10 =	ssub.s32 $0x2, s8;
	s11 =	sadd.s32 s11, s7;
	s19 =	smul.u32 $0xC400, s8  }
0xb: {  	p0 =	seq.s32 s8, $0x1;
	s7 =	sadd.s32 $0x31C00, s7;
	s31 =	sshll.u32 s8, $0xF  }
0xc: {  	s8 =	sadd.s32 $0x188000, s1;
	s12 =	sshrl.u32 s10, $0x1;
	s11 =	sadd.s32 s31, s11  }
0xd: {  	p2 =	por !p0, p1;
	p0 =	por p0, p1;
	s10 =	ssub.s32 s10, s12  }
.Ltmp0:
0xe: {  	s9 =	sadd.s32 $0x94800, s11;
	s11 =	simm.s32 @!p1 $0x0;
	(pc) =	sbr.rel .LBB2_1-.Ltmp0, $4  }
0xf: {  	s12 =	simm.s32 @!p0 $0x0;
	v0 =	vmov s19;
	s19 =	simm.s32 $0x2;
	s11 =	simm.s32 @p1 $0x1  }
0x10: {  	s12 =	simm.s32 @p0 $0x1;
	[smem:$0x7FB] =	sst s11;
	s11 =	simm.s32 @!p2 $0x0  }
0x11: {  	s10 =	smax.u32 s10, $0x1;
	[smem:$0x7FD] =	sst s12;
	s11 =	simm.s32 @p2 $0x1  }
0x12: {  	vm0 =	vmmov $0xff;
	s12 =	sshrl.u32 @!p0 s1, $0x3;
	[smem:$0x7FC] =	sst s11;
	s11 =	sshrl.u32 @!p2 s1, $0x3  }
.LBB2_23:
0x13: {  	s21 =	sadd.s32 $0x1, s21  }
0x14: {  	p0 =	sne.s32 s21, s10  }
.Ltmp1:
0x15: {  	_ = 	snop;
	(pc) =	sbr.rel @!p0 .LBB2_24-.Ltmp1, $1  }
0x16: {  	_ =	sdelay $0x3  }
.LBB2_1:
0x17: {  	s22 =	sld [smem:$0x7FC];
	_ =	sdelay $0x2  }
0x18: {  	p1 =	seq.s32 s22, $0x1  }
0x19: {  	s22 =	simm.s32 @!p1 $0x1C03  }
0x1a: {  	[spmem:s11], [sflag:s22] =	dma.local @!p1 [hbm:s7], $0x30A80  }
0x1b: {  	s22 =	sld [smem:$0x7FD];
	_ =	sdelay $0x2  }
0x1c: {  	p2 =	seq.s32 s22, $0x1  }
0x1d: {  	s22 =	simm.s32 @!p2 $0x1C03  }
0x1e: {  	[spmem:s12], [sflag:s22] =	dma.local @!p2 [hbm:s3], $0x31000  }
0x1f: {  	s22 =	sld [smem:$0x7FB];
	_ =	sdelay $0x2  }
0x20: {  	p0 =	seq.s32 s22, $0x1  }
0x21: {  	v1 =	vimm.bf16 @!p0 $0.0e+00  }
0x22: {  	[tilespmem:$0x5790] =	vst @!p0 v1  }
0x23: {  	[tilespmem:$0x57A0] =	vst @!p0 v1  }
0x24: {  	[tilespmem:$0x57B0] =	vst @!p0 v1  }
0x25: {  	[tilespmem:$0x57C0] =	vst @!p0 v1  }
0x26: {  	[tilespmem:$0x57D0] =	vst @!p0 v1  }
0x27: {  	[tilespmem:$0x57E0] =	vst @!p0 v1  }
0x28: {  	[tilespmem:$0x57F0] =	vst @!p0 v1  }
0x29: {  	[tilespmem:$0x5800] =	vst @!p0 v1  }
0x2a: {  	[tilespmem:$0x5810] =	vst @!p0 v1  }
0x2b: {  	[tilespmem:$0x5820] =	vst @!p0 v1  }
0x2c: {  	[tilespmem:$0x5830] =	vst @!p0 v1  }
0x2d: {  	[tilespmem:$0x5840] =	vst @!p0 v1  }
0x2e: {  	[tilespmem:$0x5850] =	vst @!p0 v1  }
0x2f: {  	[tilespmem:$0x5860] =	vst @!p0 v1  }
0x30: {  	[tilespmem:$0x5870] =	vst @!p0 v1  }
0x31: {  	s22 =	simm.s32 @!p0 $0x5790;
	[tilespmem:$0x5880] =	vst @!p0 v1  }
0x32: {  	[spmem:s8] =	stream.linear.scatter @!p0 [tilespmem:s22], [sflag:$0x4], $0x100, $0x38;
	[tilespmem:$0x1E8A0] =	vst v63  }
0x33: {  	s22 =	simm.s32 @!p0 $0x4  }
0x34: {  	_ =	swait.ge @!p0 [sflag:s22], $0x100  }
0x35: {  	[sflag:s22] =	ssyncset.done @!p0 $0x0  }
0x36: {  	[sflag:s22] =	ssyncadd.s32 @!p0 $0xFFFFFF00;
	s22 =	simm.s32 @!p1 $0x3  }
0x37: {  	_ =	swait.ge @!p1 [sflag:s22], $0x30A80  }
0x38: {  	[sflag:s22] =	ssyncset.done @!p1 $0x0  }
0x39: {  	[sflag:s22] =	ssyncadd.s32 @!p1 $0xFFFCF580;
	s22 =	simm.s32 @!p2 $0x3  }
.Ltmp2:
0x3a: {  	_ =	swait.ge @!p2 [sflag:s22], $0x31000;
	(pc) =	sbr.rel .LBB2_2-.Ltmp2, $4  }
0x3b: {  	[sflag:s22] =	ssyncset.done @!p2 $0x0  }
0x3c: {  	[sflag:s22] =	ssyncadd.s32 @!p2 $0xFFFCF000  }
0x3d: {  	[bflag:$0x0] =	sbarrier.arrive $0xFFFF  }
0x3e: {  	s22 =	simm.s32 $0x0  }
.LBB2_22:
0x3f: {  	s23 =	sshll.u32 s22, $0x8;
	s22 =	sadd.s32 $0x1, s22  }
0x40: {  	p0 =	sne.s32 s22, $0x8  }
.Ltmp3:
0x41: {  	s23 =	sadd.s32 s23, s9;
	(pc) =	sbr.rel @!p0 .LBB2_23-.Ltmp3, $4  }
0x42: {  	[hbm4b:s23+s2] =	stream.linear.scatter [tilespmem:s20], [sflag:$0x4], $0x800, $0x38;
	[tilespmem:$0x1E8A0] =	vst v63  }
0x43: {  	_ =	swait.ge [sflag:s13], $0x800  }
0x44: {  	[sflag:s13] =	ssyncset.done $0x0  }
0x45: {  	[sflag:s13] =	ssyncadd.s32 $0xFFFFF800  }
.LBB2_2:
0x46: {  	s23 =	smul.u32 $0x1900, s22;
	_ =	sdelay $0x1  }
0x47: {  	s24 =	sadd.s32 s6, s23  }
0x48: {  	s23 =	sshrl.u32 s24, $0x3  }
0x49: {  	s25 =	simm.s32 $0x0;
	s23 =	sadd.s32 s4, s23  }
0x4a: {  	[tilespmem:s25], [sflag:$0x4] =	stream.linear.gather [hbm4b:s23+s25], $0x1900, $0x38;
	[tilespmem:$0x1E8A0] =	vst v63  }
0x4b: {  	_ =	swait.ge [sflag:s13], $0x1900  }
0x4c: {  	[sflag:s13] =	ssyncset.done $0x0  }
0x4d: {  	p4 =	por $0x1, $0x1;
	[sflag:s13] =	ssyncadd.s32 $0xFFFFE700  }
.LBB2_3:
0x4e: {  	s23 =	sadd.s32 s24, s25  }
0x4f: {  	s23 =	sshrl.u32 s23, $0x3  }
0x50: {  	s23 =	sadd.s32 s5, s23  }
0x51: {  	[tilespmem:s14], [sflag:$0x4] =	stream.linear.gather [hbm4b:s23+s2], $0xC80, $0x38;
	[tilespmem:$0x1E8A0] =	vst v63  }
0x52: {  	s31 =	sshll.u32 s25, $0x2;
	_ =	swait.ge [sflag:s13], $0xC80  }
0x53: {  	s23 =	sshra.s32 s31, $0x2;
	[sflag:s13] =	ssyncset.done $0x0  }
0x54: {  	s23 =	sadd.s32 $0x40, s23;
	[sflag:s13] =	ssyncadd.s32 $0xFFFFF380  }
0x55: {  	s25 =	simm.s32 $0x1950;
	v1 =	vld [tilespmem:s23+$0xFFFFFFC0]  }
0x56: {  	v2 =	vld [tilespmem:s25+$0xFFFFFFC0];
	_ =	sdelay $0x3  }
0x57: {  	v1 =	vsub.s32 v1, v0  }
0x58: {  	vm1 =	vgt.s32 v2, $0x0;
	v1 =	vmin.u32 v1, $0xC400  }
0x59: {  	v1 =	vnsel vm1, $0xC400, v1  }
0x5a: {  	[tilespmem:s23+$0xFFFFFFC0] =	vst v1;
	v1 =	vld [tilespmem:s23+$0xFFFFFFD0]  }
0x5b: {  	v2 =	vld [tilespmem:s25+$0xFFFFFFD0];
	_ =	sdelay $0x3  }
0x5c: {  	v1 =	vsub.s32 v1, v0  }
0x5d: {  	vm1 =	vgt.s32 v2, $0x0;
	v1 =	vmin.u32 v1, $0xC400  }
0x5e: {  	v1 =	vnsel vm1, $0xC400, v1  }
0x5f: {  	[tilespmem:s23+$0xFFFFFFD0] =	vst v1;
	v1 =	vld [tilespmem:s23+$0xFFFFFFE0]  }
0x60: {  	v2 =	vld [tilespmem:s25+$0xFFFFFFE0];
	_ =	sdelay $0x3  }
0x61: {  	v1 =	vsub.s32 v1, v0  }
0x62: {  	vm1 =	vgt.s32 v2, $0x0;
	v1 =	vmin.u32 v1, $0xC400  }
0x63: {  	v1 =	vnsel vm1, $0xC400, v1  }
0x64: {  	[tilespmem:s23+$0xFFFFFFE0] =	vst v1;
	v1 =	vld [tilespmem:s23+$0xFFFFFFF0]  }
0x65: {  	v2 =	vld [tilespmem:s25+$0xFFFFFFF0];
	_ =	sdelay $0x3  }
0x66: {  	v1 =	vsub.s32 v1, v0  }
0x67: {  	vm1 =	vgt.s32 v2, $0x0;
	v1 =	vmin.u32 v1, $0xC400  }
0x68: {  	v1 =	vnsel vm1, $0xC400, v1  }
0x69: {  	[tilespmem:s23+$0xFFFFFFF0] =	vst v1;
	v1 =	vld [tilespmem:s23+$0x0]  }
0x6a: {  	v2 =	vld [tilespmem:s25+$0x0];
	_ =	sdelay $0x3  }
0x6b: {  	v1 =	vsub.s32 v1, v0  }
0x6c: {  	vm1 =	vgt.s32 v2, $0x0;
	v1 =	vmin.u32 v1, $0xC400  }
0x6d: {  	v1 =	vnsel vm1, $0xC400, v1  }
0x6e: {  	[tilespmem:s23+$0x0] =	vst v1;
	v1 =	vld [tilespmem:s23+$0x10]  }
0x6f: {  	v2 =	vld [tilespmem:s25+$0x10];
	_ =	sdelay $0x3  }
0x70: {  	v1 =	vsub.s32 v1, v0  }
0x71: {  	vm1 =	vgt.s32 v2, $0x0;
	v1 =	vmin.u32 v1, $0xC400  }
0x72: {  	v1 =	vnsel vm1, $0xC400, v1  }
0x73: {  	[tilespmem:s23+$0x10] =	vst v1;
	v1 =	vld [tilespmem:s23+$0x20]  }
0x74: {  	v2 =	vld [tilespmem:s25+$0x20];
	_ =	sdelay $0x3  }
0x75: {  	v1 =	vsub.s32 v1, v0  }
0x76: {  	vm1 =	vgt.s32 v2, $0x0;
	v1 =	vmin.u32 v1, $0xC400  }
0x77: {  	v1 =	vnsel vm1, $0xC400, v1  }
0x78: {  	[tilespmem:s23+$0x20] =	vst v1;
	v1 =	vld [tilespmem:s23+$0x30]  }
0x79: {  	v2 =	vld [tilespmem:s25+$0x30];
	_ =	sdelay $0x3  }
0x7a: {  	v1 =	vsub.s32 v1, v0  }
0x7b: {  	vm1 =	vgt.s32 v2, $0x0;
	v1 =	vmin.u32 v1, $0xC400  }
0x7c: {  	p3 =	por p4, p4;
	s26 =	simm.s32 $0x0;
	s28 =	sadd.s32 $0x80, s23;
	v1 =	vnsel vm1, $0xC400, v1  }
.LBB2_4:
0x7d: {  	v2 =	vld [tilespmem:s28+$0xFFFFFFC0];
	s26 =	sadd.s32 $0x8, s26;
	[tilespmem:s23+$0x30] =	vst v1;
	s25 =	sadd.s32 $0x80, s25;
	s23 =	smov.u32 s28  }
0x7e: {  	v1 =	vld [tilespmem:s25+$0xFFFFFFC0];
	p4 =	slt.u32 s26, $0xC0;
	_ =	sdelay $0x3  }
0x7f: {  	v2 =	vsub.s32 v2, v0  }
0x80: {  	vm1 =	vgt.s32 v1, $0x0;
	v1 =	vmin.u32 v2, $0xC400  }
0x81: {  	v1 =	vnsel vm1, $0xC400, v1  }
0x82: {  	[tilespmem:s28+$0xFFFFFFC0] =	vst v1;
	v1 =	vld [tilespmem:s28+$0xFFFFFFD0]  }
0x83: {  	v2 =	vld [tilespmem:s25+$0xFFFFFFD0];
	_ =	sdelay $0x3  }
0x84: {  	v1 =	vsub.s32 v1, v0  }
0x85: {  	vm1 =	vgt.s32 v2, $0x0;
	v1 =	vmin.u32 v1, $0xC400  }
0x86: {  	v1 =	vnsel vm1, $0xC400, v1  }
0x87: {  	[tilespmem:s28+$0xFFFFFFD0] =	vst v1;
	v1 =	vld [tilespmem:s28+$0xFFFFFFE0]  }
0x88: {  	v2 =	vld [tilespmem:s25+$0xFFFFFFE0];
	_ =	sdelay $0x3  }
0x89: {  	v1 =	vsub.s32 v1, v0  }
0x8a: {  	vm1 =	vgt.s32 v2, $0x0;
	v1 =	vmin.u32 v1, $0xC400  }
0x8b: {  	v1 =	vnsel vm1, $0xC400, v1  }
0x8c: {  	[tilespmem:s28+$0xFFFFFFE0] =	vst v1;
	v1 =	vld [tilespmem:s28+$0xFFFFFFF0]  }
0x8d: {  	v2 =	vld [tilespmem:s25+$0xFFFFFFF0];
	_ =	sdelay $0x3  }
0x8e: {  	v1 =	vsub.s32 v1, v0  }
0x8f: {  	vm1 =	vgt.s32 v2, $0x0;
	v1 =	vmin.u32 v1, $0xC400  }
0x90: {  	v1 =	vnsel vm1, $0xC400, v1  }
0x91: {  	[tilespmem:s28+$0xFFFFFFF0] =	vst v1;
	v1 =	vld [tilespmem:s28+$0x0]  }
0x92: {  	v2 =	vld [tilespmem:s25+$0x0];
	_ =	sdelay $0x3  }
0x93: {  	v1 =	vsub.s32 v1, v0  }
0x94: {  	vm1 =	vgt.s32 v2, $0x0;
	v1 =	vmin.u32 v1, $0xC400  }
0x95: {  	v1 =	vnsel vm1, $0xC400, v1  }
0x96: {  	[tilespmem:s28+$0x0] =	vst v1;
	v1 =	vld [tilespmem:s28+$0x10]  }
0x97: {  	v2 =	vld [tilespmem:s25+$0x10];
	_ =	sdelay $0x3  }
0x98: {  	v1 =	vsub.s32 v1, v0  }
0x99: {  	vm1 =	vgt.s32 v2, $0x0;
	v1 =	vmin.u32 v1, $0xC400  }
0x9a: {  	v1 =	vnsel vm1, $0xC400, v1  }
0x9b: {  	[tilespmem:s28+$0x10] =	vst v1;
	v1 =	vld [tilespmem:s28+$0x20]  }
0x9c: {  	v2 =	vld [tilespmem:s25+$0x20];
	_ =	sdelay $0x3  }
0x9d: {  	v1 =	vsub.s32 v1, v0  }
0x9e: {  	vm1 =	vgt.s32 v2, $0x0;
	v1 =	vmin.u32 v1, $0xC400  }
0x9f: {  	v1 =	vnsel vm1, $0xC400, v1  }
0xa0: {  	[tilespmem:s28+$0x20] =	vst v1;
	v1 =	vld [tilespmem:s28+$0x30]  }
0xa1: {  	v2 =	vld [tilespmem:s25+$0x30];
	_ =	sdelay $0x1  }
.Ltmp4:
0xa2: {  	(pc) =	sbr.rel @p4 .LBB2_4-.Ltmp4, $4  }
0xa3: {  	_ = 	snop  }
0xa4: {  	v1 =	vsub.s32 v1, v0  }
0xa5: {  	vm1 =	vgt.s32 v2, $0x0;
	v1 =	vmin.u32 v1, $0xC400  }
0xa6: {  	s28 =	sadd.s32 $0x80, s28;
	v1 =	vnsel vm1, $0xC400, v1  }
.Ltmp5:
0xa7: {  	(pc) =	sbr.rel @p3 .LBB2_3-.Ltmp5, $2  }
0xa8: {  	_ =	sdelay $0x2  }
0xa9: {  	[tilespmem:s23+$0x30] =	vst v1;
	s23 =	simm.s32 $0x0;
	s25 =	simm.s32 $0xC80;
	p4 =	por $0x0, $0x0  }
0xaa: {  	s24 =	simm.s32 $0x0  }
0xab: {  	v1 =	vld [tilespmem:s24+$0x0];
	_ =	sdelay $0x4  }
0xac: {  	vm1 =	vlt.s32 v1, $0xC400  }
0xad: {  	v2 =	vmpcnt.ones.xlane vm1  }
0xae: {  	[tilespmem:s24+$0x0] =	vst.msk vm1, v1  }
0xaf: {  	v1 =	vld [tilespmem:s24+$0x10];
	(v2sf) =	vpush v2, $0x0;
	_ =	sdelay $0x4  }
0xb0: {  	vm1 =	vlt.s32 v1, $0xC400  }
0xb1: {  	v2 =	vmpcnt.ones.xlane vm1;
	_ =	sdelay $0x1  }
0xb2: {  	(v2sf) =	vpush v2, $0x0;
	_ =	sdelay $0x6  }
0xb3: {  	s25 =	spop (v2sf)  }
0xb4: {  	s26 =	sshll.u32 s25, $0x2  }
0xb5: {  	s26 =	sadd.s32 $0x0, s26  }
0xb6: {  	s26 =	sshra.s32 s26, $0x2  }
0xb7: {  	[tilespmem:s26+$0x0] =	vst.msk vm1, v1  }
0xb8: {  	v1 =	vld [tilespmem:s24+$0x20];
	_ =	sdelay $0x2  }
0xb9: {  	s30 =	spop (v2sf)  }
0xba: {  	s25 =	sadd.s32 s25, s30  }
0xbb: {  	s26 =	sshll.u32 s25, $0x2;
	vm1 =	vlt.s32 v1, $0xC400  }
0xbc: {  	s26 =	sadd.s32 $0x0, s26;
	v2 =	vmpcnt.ones.xlane vm1  }
0xbd: {  	s26 =	sshra.s32 s26, $0x2  }
0xbe: {  	[tilespmem:s26+$0x0] =	vst.msk vm1, v1;
	(v2sf) =	vpush v2, $0x0  }
0xbf: {  	v1 =	vld [tilespmem:s24+$0x30];
	_ =	sdelay $0x4  }
0xc0: {  	vm1 =	vlt.s32 v1, $0xC400  }
0xc1: {  	v2 =	vmpcnt.ones.xlane vm1;
	_ =	sdelay $0x1  }
0xc2: {  	(v2sf) =	vpush v2, $0x0;
	_ =	sdelay $0x5  }
0xc3: {  	s31 =	spop (v2sf)  }
0xc4: {  	s25 =	sadd.s32 s25, s31  }
0xc5: {  	s26 =	sshll.u32 s25, $0x2  }
0xc6: {  	s26 =	sadd.s32 $0x0, s26  }
0xc7: {  	s26 =	sshra.s32 s26, $0x2  }
0xc8: {  	[tilespmem:s26+$0x0] =	vst.msk vm1, v1  }
0xc9: {  	v1 =	vld [tilespmem:s24+$0x40];
	_ =	sdelay $0x2  }
0xca: {  	s30 =	spop (v2sf)  }
0xcb: {  	s25 =	sadd.s32 s25, s30  }
0xcc: {  	s26 =	sshll.u32 s25, $0x2;
	vm1 =	vlt.s32 v1, $0xC400  }
0xcd: {  	s26 =	sadd.s32 $0x0, s26;
	v2 =	vmpcnt.ones.xlane vm1  }
0xce: {  	s26 =	sshra.s32 s26, $0x2  }
0xcf: {  	[tilespmem:s26+$0x0] =	vst.msk vm1, v1;
	(v2sf) =	vpush v2, $0x0  }
0xd0: {  	v1 =	vld [tilespmem:s24+$0x50];
	_ =	sdelay $0x4  }
0xd1: {  	vm1 =	vlt.s32 v1, $0xC400  }
0xd2: {  	v2 =	vmpcnt.ones.xlane vm1;
	_ =	sdelay $0x1  }
0xd3: {  	(v2sf) =	vpush v2, $0x0;
	_ =	sdelay $0x5  }
0xd4: {  	s31 =	spop (v2sf)  }
0xd5: {  	s25 =	sadd.s32 s25, s31  }
0xd6: {  	s26 =	sshll.u32 s25, $0x2  }
0xd7: {  	s26 =	sadd.s32 $0x0, s26  }
0xd8: {  	s26 =	sshra.s32 s26, $0x2  }
0xd9: {  	[tilespmem:s26+$0x0] =	vst.msk vm1, v1  }
0xda: {  	v1 =	vld [tilespmem:s24+$0x60];
	_ =	sdelay $0x2  }
0xdb: {  	s30 =	spop (v2sf)  }
0xdc: {  	s25 =	sadd.s32 s25, s30  }
0xdd: {  	s26 =	sshll.u32 s25, $0x2;
	vm1 =	vlt.s32 v1, $0xC400  }
0xde: {  	s26 =	sadd.s32 $0x0, s26;
	v2 =	vmpcnt.ones.xlane vm1  }
0xdf: {  	s26 =	sshra.s32 s26, $0x2  }
0xe0: {  	[tilespmem:s26+$0x0] =	vst.msk vm1, v1;
	(v2sf) =	vpush v2, $0x0  }
0xe1: {  	v1 =	vld [tilespmem:s24+$0x70];
	_ =	sdelay $0x4  }
0xe2: {  	vm1 =	vlt.s32 v1, $0xC400  }
0xe3: {  	v2 =	vmpcnt.ones.xlane vm1;
	_ =	sdelay $0x1  }
0xe4: {  	(v2sf) =	vpush v2, $0x0;
	_ =	sdelay $0x5  }
0xe5: {  	s31 =	spop (v2sf)  }
0xe6: {  	s25 =	sadd.s32 s25, s31  }
0xe7: {  	s26 =	sshll.u32 s25, $0x2  }
0xe8: {  	s26 =	sadd.s32 $0x0, s26  }
0xe9: {  	s26 =	sshra.s32 s26, $0x2  }
0xea: {  	[tilespmem:s26+$0x0] =	vst.msk vm1, v1  }
0xeb: {  	v1 =	vld [tilespmem:s24+$0x80];
	_ =	sdelay $0x2  }
0xec: {  	s30 =	spop (v2sf)  }
0xed: {  	s25 =	sadd.s32 s25, s30  }
0xee: {  	s26 =	sshll.u32 s25, $0x2;
	vm1 =	vlt.s32 v1, $0xC400  }
0xef: {  	s26 =	sadd.s32 $0x0, s26;
	v2 =	vmpcnt.ones.xlane vm1  }
0xf0: {  	s26 =	sshra.s32 s26, $0x2  }
0xf1: {  	[tilespmem:s26+$0x0] =	vst.msk vm1, v1;
	(v2sf) =	vpush v2, $0x0  }
0xf2: {  	v1 =	vld [tilespmem:s24+$0x90];
	_ =	sdelay $0x4  }
0xf3: {  	vm1 =	vlt.s32 v1, $0xC400  }
0xf4: {  	v2 =	vmpcnt.ones.xlane vm1;
	_ =	sdelay $0x1  }
0xf5: {  	(v2sf) =	vpush v2, $0x0;
	_ =	sdelay $0x5  }
0xf6: {  	s31 =	spop (v2sf)  }
0xf7: {  	s25 =	sadd.s32 s25, s31  }
0xf8: {  	s26 =	sshll.u32 s25, $0x2  }
0xf9: {  	s26 =	sadd.s32 $0x0, s26  }
0xfa: {  	s26 =	sshra.s32 s26, $0x2  }
0xfb: {  	[tilespmem:s26+$0x0] =	vst.msk vm1, v1  }
0xfc: {  	v1 =	vld [tilespmem:s24+$0xA0];
	_ =	sdelay $0x2  }
0xfd: {  	s30 =	spop (v2sf)  }
0xfe: {  	s25 =	sadd.s32 s30, s25  }
0xff: {  	s26 =	sshll.u32 s25, $0x2;
	vm1 =	vlt.s32 v1, $0xC400  }
0x100: {  	s26 =	sadd.s32 $0x0, s26;
	v2 =	vmpcnt.ones.xlane vm1  }
0x101: {  	s26 =	sshra.s32 s26, $0x2  }
0x102: {  	[tilespmem:s26+$0x0] =	vst.msk vm1, v1;
	(v2sf) =	vpush v2, $0x0  }
0x103: {  	v1 =	vld [tilespmem:s24+$0xB0];
	_ =	sdelay $0x4  }
0x104: {  	vm1 =	vlt.s32 v1, $0xC400  }
0x105: {  	v2 =	vmpcnt.ones.xlane vm1;
	_ =	sdelay $0x1  }
0x106: {  	(v2sf) =	vpush v2, $0x0;
	_ =	sdelay $0x5  }
0x107: {  	s31 =	spop (v2sf)  }
0x108: {  	s25 =	sadd.s32 s25, s31  }
0x109: {  	s26 =	sshll.u32 s25, $0x2  }
0x10a: {  	s26 =	sadd.s32 $0x0, s26  }
0x10b: {  	s26 =	sshra.s32 s26, $0x2  }
0x10c: {  	[tilespmem:s26+$0x0] =	vst.msk vm1, v1  }
0x10d: {  	v1 =	vld [tilespmem:s24+$0xC0];
	_ =	sdelay $0x2  }
0x10e: {  	s30 =	spop (v2sf)  }
0x10f: {  	s31 =	sadd.s32 s30, s25  }
0x110: {  	s24 =	sshll.u32 s31, $0x2;
	vm1 =	vlt.s32 v1, $0xC400  }
0x111: {  	s24 =	sadd.s32 $0x0, s24;
	vm1 =	vmand vm1, vm0  }
0x112: {  	s24 =	sshra.s32 s24, $0x2;
	v2 =	vmpcnt.ones.xlane vm1  }
0x113: {  	s25 =	simm.s32 $0xC8;
	[tilespmem:s24+$0x0] =	vst.msk vm1, v1  }
0x114: {  	v1 =	vld [tilespmem:s25+$0x0];
	(v2sf) =	vpush v2, $0x0;
	_ =	sdelay $0x4  }
0x115: {  	vm1 =	vlt.s32 v1, $0xC400  }
0x116: {  	[tilespmem:s25+$0x0] =	vst.msk vm1, v1;
	v2 =	vmpcnt.ones.xlane vm1  }
0x117: {  	v1 =	vld [tilespmem:s25+$0x10]  }
0x118: {  	(v2sf) =	vpush v2, $0x0;
	_ =	sdelay $0x3  }
0x119: {  	vm1 =	vlt.s32 v1, $0xC400  }
0x11a: {  	v3 =	vmpcnt.ones.xlane vm1;
	_ =	sdelay $0x1  }
0x11b: {  	s28 =	spop (v2sf);
	(v2sf) =	vpush v3, $0x0  }
0x11c: {  	s29 =	simm.s32 $0x640;
	s24 =	simm.s32 $0x320;
	s28 =	sadd.s32 s31, s28  }
.LBB2_7:
0x11d: {  	[smem:s23] =	sst s28  }
0x11e: {  	s23 =	sadd.s32 $0x1, s23;
	s28 =	smov.u32 s29;
	s26 =	sadd.s32 $0x320, s29  }
0x11f: {  	p3 =	sne.s32 s29, $0x60E0;
	_ =	sdelay $0x3  }
0x120: {  	s29 =	spop (v2sf)  }
0x121: {  	s30 =	sshll.u32 s29, $0x2  }
0x122: {  	s30 =	sadd.s32 s30, s24  }
0x123: {  	s30 =	sshra.s32 s30, $0x2  }
0x124: {  	[tilespmem:s30+$0x0] =	vst.msk vm1, v1  }
0x125: {  	v1 =	vld [tilespmem:s25+$0x20];
	_ =	sdelay $0x1  }
0x126: {  	s30 =	spop (v2sf)  }
0x127: {  	s29 =	sadd.s32 s29, s30  }
0x128: {  	s30 =	sshll.u32 s29, $0x2  }
0x129: {  	vm1 =	vlt.s32 v1, $0xC400;
	s30 =	sadd.s32 s30, s24  }
0x12a: {  	s30 =	sshra.s32 s30, $0x2;
	v2 =	vmpcnt.ones.xlane vm1  }
0x12b: {  	[tilespmem:s30+$0x0] =	vst.msk vm1, v1  }
0x12c: {  	v1 =	vld [tilespmem:s25+$0x30];
	(v2sf) =	vpush v2, $0x0;
	_ =	sdelay $0x4  }
0x12d: {  	vm1 =	vlt.s32 v1, $0xC400  }
0x12e: {  	v2 =	vmpcnt.ones.xlane vm1;
	_ =	sdelay $0x1  }
0x12f: {  	(v2sf) =	vpush v2, $0x0;
	_ =	sdelay $0x6  }
0x130: {  	s30 =	spop (v2sf)  }
0x131: {  	s29 =	sadd.s32 s29, s30  }
0x132: {  	s30 =	sshll.u32 s29, $0x2  }
0x133: {  	s30 =	sadd.s32 s30, s24  }
0x134: {  	s30 =	sshra.s32 s30, $0x2  }
0x135: {  	[tilespmem:s30+$0x0] =	vst.msk vm1, v1  }
0x136: {  	v1 =	vld [tilespmem:s25+$0x40];
	_ =	sdelay $0x1  }
0x137: {  	s30 =	spop (v2sf)  }
0x138: {  	s29 =	sadd.s32 s29, s30  }
0x139: {  	s30 =	sshll.u32 s29, $0x2  }
0x13a: {  	vm1 =	vlt.s32 v1, $0xC400;
	s30 =	sadd.s32 s30, s24  }
0x13b: {  	s30 =	sshra.s32 s30, $0x2;
	v2 =	vmpcnt.ones.xlane vm1  }
0x13c: {  	[tilespmem:s30+$0x0] =	vst.msk vm1, v1  }
0x13d: {  	v1 =	vld [tilespmem:s25+$0x50];
	(v2sf) =	vpush v2, $0x0;
	_ =	sdelay $0x4  }
0x13e: {  	vm1 =	vlt.s32 v1, $0xC400  }
0x13f: {  	v2 =	vmpcnt.ones.xlane vm1;
	_ =	sdelay $0x1  }
0x140: {  	(v2sf) =	vpush v2, $0x0;
	_ =	sdelay $0x6  }
0x141: {  	s30 =	spop (v2sf)  }
0x142: {  	s29 =	sadd.s32 s29, s30  }
0x143: {  	s30 =	sshll.u32 s29, $0x2  }
0x144: {  	s30 =	sadd.s32 s30, s24  }
0x145: {  	s30 =	sshra.s32 s30, $0x2  }
0x146: {  	[tilespmem:s30+$0x0] =	vst.msk vm1, v1  }
0x147: {  	v1 =	vld [tilespmem:s25+$0x60];
	_ =	sdelay $0x1  }
0x148: {  	s30 =	spop (v2sf)  }
0x149: {  	s29 =	sadd.s32 s29, s30  }
0x14a: {  	s30 =	sshll.u32 s29, $0x2  }
0x14b: {  	vm1 =	vlt.s32 v1, $0xC400;
	s30 =	sadd.s32 s30, s24  }
0x14c: {  	s30 =	sshra.s32 s30, $0x2;
	v2 =	vmpcnt.ones.xlane vm1  }
0x14d: {  	[tilespmem:s30+$0x0] =	vst.msk vm1, v1  }
0x14e: {  	v1 =	vld [tilespmem:s25+$0x70];
	(v2sf) =	vpush v2, $0x0;
	_ =	sdelay $0x4  }
0x14f: {  	vm1 =	vlt.s32 v1, $0xC400  }
0x150: {  	v2 =	vmpcnt.ones.xlane vm1;
	_ =	sdelay $0x1  }
0x151: {  	(v2sf) =	vpush v2, $0x0;
	_ =	sdelay $0x6  }
0x152: {  	s30 =	spop (v2sf)  }
0x153: {  	s29 =	sadd.s32 s29, s30  }
0x154: {  	s30 =	sshll.u32 s29, $0x2  }
0x155: {  	s30 =	sadd.s32 s30, s24  }
0x156: {  	s30 =	sshra.s32 s30, $0x2  }
0x157: {  	[tilespmem:s30+$0x0] =	vst.msk vm1, v1  }
0x158: {  	v1 =	vld [tilespmem:s25+$0x80];
	_ =	sdelay $0x1  }
0x159: {  	s30 =	spop (v2sf)  }
0x15a: {  	s29 =	sadd.s32 s29, s30  }
0x15b: {  	s30 =	sshll.u32 s29, $0x2  }
0x15c: {  	vm1 =	vlt.s32 v1, $0xC400;
	s30 =	sadd.s32 s30, s24  }
0x15d: {  	s30 =	sshra.s32 s30, $0x2;
	v2 =	vmpcnt.ones.xlane vm1  }
0x15e: {  	[tilespmem:s30+$0x0] =	vst.msk vm1, v1  }
0x15f: {  	v1 =	vld [tilespmem:s25+$0x90];
	(v2sf) =	vpush v2, $0x0;
	_ =	sdelay $0x4  }
0x160: {  	vm1 =	vlt.s32 v1, $0xC400  }
0x161: {  	v2 =	vmpcnt.ones.xlane vm1;
	_ =	sdelay $0x1  }
0x162: {  	(v2sf) =	vpush v2, $0x0;
	_ =	sdelay $0x6  }
0x163: {  	s30 =	spop (v2sf)  }
0x164: {  	s29 =	sadd.s32 s29, s30  }
0x165: {  	s30 =	sshll.u32 s29, $0x2  }
0x166: {  	s30 =	sadd.s32 s30, s24  }
0x167: {  	s30 =	sshra.s32 s30, $0x2  }
0x168: {  	[tilespmem:s30+$0x0] =	vst.msk vm1, v1  }
0x169: {  	v1 =	vld [tilespmem:s25+$0xA0];
	_ =	sdelay $0x1  }
0x16a: {  	s30 =	spop (v2sf)  }
0x16b: {  	s29 =	sadd.s32 s30, s29  }
0x16c: {  	s30 =	sshll.u32 s29, $0x2  }
0x16d: {  	vm1 =	vlt.s32 v1, $0xC400;
	s30 =	sadd.s32 s30, s24  }
0x16e: {  	s30 =	sshra.s32 s30, $0x2;
	v2 =	vmpcnt.ones.xlane vm1  }
0x16f: {  	[tilespmem:s30+$0x0] =	vst.msk vm1, v1  }
0x170: {  	v1 =	vld [tilespmem:s25+$0xB0];
	(v2sf) =	vpush v2, $0x0;
	_ =	sdelay $0x4  }
0x171: {  	vm1 =	vlt.s32 v1, $0xC400  }
0x172: {  	v2 =	vmpcnt.ones.xlane vm1;
	_ =	sdelay $0x1  }
0x173: {  	(v2sf) =	vpush v2, $0x0;
	_ =	sdelay $0x6  }
0x174: {  	s30 =	spop (v2sf)  }
0x175: {  	s29 =	sadd.s32 s29, s30  }
0x176: {  	s30 =	sshll.u32 s29, $0x2  }
0x177: {  	s30 =	sadd.s32 s30, s24  }
0x178: {  	s30 =	sshra.s32 s30, $0x2  }
0x179: {  	[tilespmem:s30+$0x0] =	vst.msk vm1, v1  }
0x17a: {  	v1 =	vld [tilespmem:s25+$0xC0];
	_ =	sdelay $0x1  }
0x17b: {  	s25 =	spop (v2sf)  }
0x17c: {  	s29 =	sadd.s32 s25, s29  }
0x17d: {  	s25 =	sshll.u32 s29, $0x2  }
0x17e: {  	vm1 =	vlt.s32 v1, $0xC400;
	s25 =	sadd.s32 s25, s24;
	s24 =	smov.u32 s28  }
0x17f: {  	vm1 =	vmand vm1, vm0;
	s28 =	sshra.s32 s25, $0x2  }
0x180: {  	s25 =	sshra.s32 s24, $0x2;
	[tilespmem:s28+$0x0] =	vst.msk vm1, v1;
	v1 =	vmpcnt.ones.xlane vm1  }
0x181: {  	v2 =	vld [tilespmem:s25+$0x0]  }
0x182: {  	(v2sf) =	vpush v1, $0x0;
	_ =	sdelay $0x3  }
0x183: {  	vm1 =	vlt.s32 v2, $0xC400  }
0x184: {  	[tilespmem:s25+$0x0] =	vst.msk vm1, v2;
	v2 =	vmpcnt.ones.xlane vm1  }
0x185: {  	v1 =	vld [tilespmem:s25+$0x10]  }
0x186: {  	(v2sf) =	vpush v2, $0x0;
	_ =	sdelay $0x3  }
0x187: {  	vm1 =	vlt.s32 v1, $0xC400  }
.Ltmp6:
0x188: {  	v2 =	vmpcnt.ones.xlane vm1;
	(pc) =	sbr.rel @p3 .LBB2_7-.Ltmp6, $4  }
0x189: {  	_ = 	snop  }
0x18a: {  	(v2sf) =	vpush v2, $0x0  }
0x18b: {  	s28 =	spop (v2sf)  }
0x18c: {  	s28 =	sadd.s32 s29, s28;
	s29 =	smov.u32 s26  }
0x18d: {  	_ =	sdelay $0x4  }
0x18e: {  	s26 =	spop (v2sf)  }
0x18f: {  	s29 =	sshll.u32 s26, $0x2  }
0x190: {  	s29 =	sadd.s32 s29, s24  }
0x191: {  	s29 =	sshra.s32 s29, $0x2  }
0x192: {  	[tilespmem:s29+$0x0] =	vst.msk vm1, v1  }
0x193: {  	v1 =	vld [tilespmem:s25+$0x20];
	_ =	sdelay $0x4  }
0x194: {  	vm1 =	vlt.s32 v1, $0xC400  }
0x195: {  	v2 =	vmpcnt.ones.xlane vm1;
	_ =	sdelay $0x1  }
0x196: {  	(v2sf) =	vpush v2, $0x0;
	_ =	sdelay $0x7  }
0x197: {  	s30 =	spop (v2sf)  }
0x198: {  	s26 =	sadd.s32 s26, s30  }
0x199: {  	s29 =	sshll.u32 s26, $0x2  }
0x19a: {  	s29 =	sadd.s32 s29, s24  }
0x19b: {  	s29 =	sshra.s32 s29, $0x2  }
0x19c: {  	[tilespmem:s29+$0x0] =	vst.msk vm1, v1  }
0x19d: {  	v1 =	vld [tilespmem:s25+$0x30]  }
0x19e: {  	s31 =	spop (v2sf)  }
0x19f: {  	s26 =	sadd.s32 s26, s31  }
0x1a0: {  	s29 =	sshll.u32 s26, $0x2  }
0x1a1: {  	s29 =	sadd.s32 s29, s24  }
0x1a2: {  	vm1 =	vlt.s32 v1, $0xC400;
	s29 =	sshra.s32 s29, $0x2  }
0x1a3: {  	v2 =	vmpcnt.ones.xlane vm1;
	[tilespmem:s29+$0x0] =	vst.msk vm1, v1  }
0x1a4: {  	v1 =	vld [tilespmem:s25+$0x40]  }
0x1a5: {  	(v2sf) =	vpush v2, $0x0;
	_ =	sdelay $0x3  }
0x1a6: {  	vm1 =	vlt.s32 v1, $0xC400  }
0x1a7: {  	v2 =	vmpcnt.ones.xlane vm1;
	_ =	sdelay $0x1  }
0x1a8: {  	(v2sf) =	vpush v2, $0x0;
	_ =	sdelay $0x7  }
0x1a9: {  	s30 =	spop (v2sf)  }
0x1aa: {  	s26 =	sadd.s32 s26, s30  }
0x1ab: {  	s29 =	sshll.u32 s26, $0x2  }
0x1ac: {  	s29 =	sadd.s32 s29, s24  }
0x1ad: {  	s29 =	sshra.s32 s29, $0x2  }
0x1ae: {  	[tilespmem:s29+$0x0] =	vst.msk vm1, v1  }
0x1af: {  	v1 =	vld [tilespmem:s25+$0x50]  }
0x1b0: {  	s31 =	spop (v2sf)  }
0x1b1: {  	s26 =	sadd.s32 s26, s31  }
0x1b2: {  	s29 =	sshll.u32 s26, $0x2  }
0x1b3: {  	s29 =	sadd.s32 s29, s24  }
0x1b4: {  	vm1 =	vlt.s32 v1, $0xC400;
	s29 =	sshra.s32 s29, $0x2  }
0x1b5: {  	v2 =	vmpcnt.ones.xlane vm1;
	[tilespmem:s29+$0x0] =	vst.msk vm1, v1  }
0x1b6: {  	v1 =	vld [tilespmem:s25+$0x60]  }
0x1b7: {  	(v2sf) =	vpush v2, $0x0;
	_ =	sdelay $0x3  }
0x1b8: {  	vm1 =	vlt.s32 v1, $0xC400  }
0x1b9: {  	v2 =	vmpcnt.ones.xlane vm1;
	_ =	sdelay $0x1  }
0x1ba: {  	(v2sf) =	vpush v2, $0x0;
	_ =	sdelay $0x7  }
0x1bb: {  	s30 =	spop (v2sf)  }
0x1bc: {  	s26 =	sadd.s32 s26, s30  }
0x1bd: {  	s29 =	sshll.u32 s26, $0x2  }
0x1be: {  	s29 =	sadd.s32 s29, s24  }
0x1bf: {  	s29 =	sshra.s32 s29, $0x2  }
0x1c0: {  	[tilespmem:s29+$0x0] =	vst.msk vm1, v1  }
0x1c1: {  	v1 =	vld [tilespmem:s25+$0x70]  }
0x1c2: {  	s31 =	spop (v2sf)  }
0x1c3: {  	s26 =	sadd.s32 s26, s31  }
0x1c4: {  	s29 =	sshll.u32 s26, $0x2  }
0x1c5: {  	s29 =	sadd.s32 s29, s24  }
0x1c6: {  	vm1 =	vlt.s32 v1, $0xC400;
	s29 =	sshra.s32 s29, $0x2  }
0x1c7: {  	v2 =	vmpcnt.ones.xlane vm1;
	[tilespmem:s29+$0x0] =	vst.msk vm1, v1  }
0x1c8: {  	v1 =	vld [tilespmem:s25+$0x80]  }
0x1c9: {  	(v2sf) =	vpush v2, $0x0;
	_ =	sdelay $0x3  }
0x1ca: {  	vm1 =	vlt.s32 v1, $0xC400  }
0x1cb: {  	v2 =	vmpcnt.ones.xlane vm1;
	_ =	sdelay $0x1  }
0x1cc: {  	(v2sf) =	vpush v2, $0x0;
	_ =	sdelay $0x7  }
0x1cd: {  	s30 =	spop (v2sf)  }
0x1ce: {  	s26 =	sadd.s32 s26, s30  }
0x1cf: {  	s29 =	sshll.u32 s26, $0x2  }
0x1d0: {  	s29 =	sadd.s32 s29, s24  }
0x1d1: {  	s29 =	sshra.s32 s29, $0x2  }
0x1d2: {  	[tilespmem:s29+$0x0] =	vst.msk vm1, v1  }
0x1d3: {  	v1 =	vld [tilespmem:s25+$0x90]  }
0x1d4: {  	s31 =	spop (v2sf)  }
0x1d5: {  	s26 =	sadd.s32 s26, s31  }
0x1d6: {  	s29 =	sshll.u32 s26, $0x2  }
0x1d7: {  	s29 =	sadd.s32 s29, s24  }
0x1d8: {  	vm1 =	vlt.s32 v1, $0xC400;
	s29 =	sshra.s32 s29, $0x2  }
0x1d9: {  	v2 =	vmpcnt.ones.xlane vm1;
	[tilespmem:s29+$0x0] =	vst.msk vm1, v1  }
0x1da: {  	v1 =	vld [tilespmem:s25+$0xA0]  }
0x1db: {  	(v2sf) =	vpush v2, $0x0;
	_ =	sdelay $0x3  }
0x1dc: {  	vm1 =	vlt.s32 v1, $0xC400  }
0x1dd: {  	v2 =	vmpcnt.ones.xlane vm1;
	_ =	sdelay $0x1  }
0x1de: {  	(v2sf) =	vpush v2, $0x0;
	_ =	sdelay $0x7  }
0x1df: {  	s30 =	spop (v2sf)  }
0x1e0: {  	s26 =	sadd.s32 s30, s26  }
0x1e1: {  	s29 =	sshll.u32 s26, $0x2  }
0x1e2: {  	s29 =	sadd.s32 s29, s24  }
0x1e3: {  	s29 =	sshra.s32 s29, $0x2  }
0x1e4: {  	[tilespmem:s29+$0x0] =	vst.msk vm1, v1  }
0x1e5: {  	v1 =	vld [tilespmem:s25+$0xB0]  }
0x1e6: {  	s31 =	spop (v2sf)  }
0x1e7: {  	s26 =	sadd.s32 s26, s31  }
0x1e8: {  	s29 =	sshll.u32 s26, $0x2  }
0x1e9: {  	s29 =	sadd.s32 s29, s24  }
0x1ea: {  	vm1 =	vlt.s32 v1, $0xC400;
	s29 =	sshra.s32 s29, $0x2  }
0x1eb: {  	[tilespmem:s29+$0x0] =	vst.msk vm1, v1  }
0x1ec: {  	v1 =	vld [tilespmem:s25+$0xC0];
	_ =	sdelay $0x4  }
0x1ed: {  	vm2 =	vlt.s32 v1, $0xC400  }
0x1ee: {  	v2 =	vmpcnt.ones.xlane vm1;
	vm1 =	vmand vm2, vm0  }
0x1ef: {  	v3 =	vmpcnt.ones.xlane vm1  }
0x1f0: {  	(v2sf) =	vpush v2, $0x0  }
0x1f1: {  	(v2sf) =	vpush v3, $0x0;
	_ =	sdelay $0xd  }
0x1f2: {  	s29 =	spop (v2sf)  }
0x1f3: {  	[smem:s23] =	sst s28;
	s25 =	sadd.s32 s29, s26;
	s30 =	spop (v2sf)  }
0x1f4: {  	s31 =	sadd.s32 $0x1, s23;
	s29 =	sshll.u32 s25, $0x2;
	s25 =	sadd.s32 s25, s30  }
0x1f5: {  	s30 =	sadd.s32 s29, s24;
	[smem:s31] =	sst s25  }
0x1f6: {  	s31 =	sshra.s32 s30, $0x2;
	s24 =	sld [smem:$0x0]  }
0x1f7: {  	[tilespmem:s31+$0x0] =	vst.msk vm1, v1  }
0x1f8: {  	[tilespmem:s16], [sflag:$0x1] =	stream.indirect.gather [spmem:s1], $0x20, s2, s15, $0xb8;
	[tilespmem:$0x1E8A0] =	vst v63  }
0x1f9: {  	p0 =	slt.s32 s24, $0x39  }
0x1fa: {  	s23 =	simm.s32 @!p0 $0x10  }
0x1fb: {  	s25 =	simm.s32 @!p0 $0x38;
	s26 =	simm.s32 @!p0 $0x2C90;
	p1 =	slt.u32 @!p0 s24, $0x49  }
0x1fc: {  	[tilespmem:s26], [sflag:$0x1] =	stream.indirect.gather @!p0 [spmem:s1], $0x20, s25, s23, $0xb8;
	[tilespmem:$0x1E8A0] =	vst v63  }
0x1fd: {  	p2 =	por p1, p0  }
0x1fe: {  	s23 =	simm.s32 @!p2 $0x20;
	s25 =	simm.s32 @!p2 $0x48;
	s26 =	simm.s32 @!p2 $0x2E90  }
0x1ff: {  	[tilespmem:s26], [sflag:$0x1] =	stream.indirect.gather @!p2 [spmem:s1], $0x20, s25, s23, $0xb8;
	[tilespmem:$0x1E8A0] =	vst v63  }
0x200: {  	p2 =	slt.u32 @!p2 s24, $0x69  }
.Ltmp7:
0x201: {  	p1 =	por @!p0 p2, p1;
	(pc) =	sbr.rel .LBB2_9-.Ltmp7, $4  }
0x202: {  	p0 =	por p1, p0  }
0x203: {  	s23 =	simm.s32 @!p0 $0x60;
	s24 =	simm.s32 @!p0 $0x68;
	s25 =	simm.s32 @!p0 $0x3290  }
0x204: {  	[tilespmem:s25], [sflag:$0x1] =	stream.indirect.gather @!p0 [spmem:s1], $0x20, s24, s23, $0xb8;
	[tilespmem:$0x1E8A0] =	vst v63  }
0x205: {  	s23 =	simm.s32 $0x0  }
.LBB2_17:
0x206: {  	v3 =	vimm.f32 $0.0e+00;
	v2 =	vimm.f32 $0.0e+00;
	v7 =	vimm.f32 $0.0e+00  }
.LBB2_21:
0x207: {  	s23 =	sadd.s32 $0x1, s23  }
0x208: {  	s24 =	sshll.u32 s24, $0x6;
	p0 =	sne.s32 s23, $0x10  }
.Ltmp8:
0x209: {  	s24 =	sand.u32 $0x3FFFFFC0, s24;
	(pc) =	sbr.rel @!p0 .LBB2_22-.Ltmp8, $4  }
0x20a: {  	[tilespmem:s24+$0x5890] =	vst v1  }
0x20b: {  	[tilespmem:s24+$0x58A0] =	vst v3  }
0x20c: {  	[tilespmem:s24+$0x58B0] =	vst v2  }
0x20d: {  	[tilespmem:s24+$0x58C0] =	vst v7  }
.LBB2_9:
0x20e: {  	s24 =	sshllo.u32 s23, $0x1  }
0x20f: {  	s26 =	smul.u32 $0x320, s24  }
0x210: {  	s25 =	sld [smem:s24+$0x0]  }
0x211: {  	s28 =	sshra.s32 s26, $0x2  }
0x212: {  	[tilespmem:s17], [sflag:$0x2] =	stream.indirect.gather [spmem:s1], $0x20, s28, s15, $0xb8;
	[tilespmem:$0x1E8A0] =	vst v63  }
0x213: {  	p3 =	slt.s32 s25, $0x39  }
0x214: {  	s26 =	sadd.s32 @!p3 $0x38, s28  }
0x215: {  	s29 =	simm.s32 @!p3 $0x10;
	s30 =	simm.s32 @!p3 $0x4590;
	p1 =	slt.u32 @!p3 s25, $0x49  }
0x216: {  	[tilespmem:s30], [sflag:$0x2] =	stream.indirect.gather @!p3 [spmem:s1], $0x20, s26, s29, $0xb8;
	[tilespmem:$0x1E8A0] =	vst v63  }
0x217: {  	p2 =	por p1, p3  }
0x218: {  	s26 =	sadd.s32 @!p2 $0x48, s28  }
0x219: {  	s29 =	simm.s32 @!p2 $0x20;
	s30 =	simm.s32 @!p2 $0x4790;
	p4 =	slt.u32 @!p2 s25, $0x69  }
0x21a: {  	[tilespmem:s30], [sflag:$0x2] =	stream.indirect.gather @!p2 [spmem:s1], $0x20, s26, s29, $0xb8;
	[tilespmem:$0x1E8A0] =	vst v63  }
0x21b: {  	p0 =	por @!p3 p4, p1;
	s26 =	sshll.u32 s23, $0x1;
	p4 =	por @!p3 !p4, p1  }
0x21c: {  	p5 =	por p0, p3;
	p0 =	por @!p2 $0x1, $0x1;
	p2 =	por @!p2 $0x0, $0x0  }
0x21d: {  	s28 =	sadd.s32 @!p5 $0x68, s28;
	s29 =	simm.s32 @!p5 $0x60;
	s30 =	simm.s32 @!p5 $0x4B90  }
0x21e: {  	[tilespmem:s30], [sflag:$0x2] =	stream.indirect.gather @!p5 [spmem:s1], $0x20, s28, s29, $0xb8;
	[tilespmem:$0x1E8A0] =	vst v63  }
0x21f: {  	p4 =	por !p4, p3;
	p5 =	por @!p5 $0x1, $0x1;
	s28 =	sld [smem:s26+$0x0]  }
0x220: {  	p6 =	por @!p3 $0x0, $0x0;
	p1 =	por !p1, p3;
	p2 =	por @!p4 p5, p5  }
0x221: {  	p0 =	por @!p4 p5, p5;
	p4 =	por $0x0, $0x0;
	p2 =	por @!p1 p6, p6  }
0x222: {  	p0 =	por @!p1 p6, p6;
	p1 =	slt.s32 s28, $0x39;
	p4 =	por @!p3 p2, p2  }
.Ltmp9:
0x223: {  	p5 =	por $0x0, $0x0;
	s29 =	simm.s32 @!p4 $0x0;
	(pc) =	sbr.rel @p1 .LBB2_14-.Ltmp9, $4  }
0x224: {  	_ =	swait.ge [sflag:s18], $0x700;
	p5 =	por @!p3 p0, p0;
	s29 =	simm.s32 @p4 $0x1  }
0x225: {  	[smem:$0x7F9] =	sst s29;
	s29 =	simm.s32 @!p5 $0x0  }
0x226: {  	[sflag:s18] =	ssyncset.done $0x0;
	s29 =	simm.s32 @p5 $0x1  }
0x227: {  	[sflag:s18] =	ssyncadd.s32 $0xFFFFF900;
	[smem:$0x7FA] =	sst s29  }
0x228: {  	_ =	swait.ge [sflag:s18], $0x200  }
0x229: {  	p0 =	slt.u32 s28, $0x49;
	[sflag:s18] =	ssyncset.done $0x0  }
0x22a: {  	s29 =	simm.s32 @!p0 $0x1;
	[sflag:s18] =	ssyncadd.s32 $0xFFFFFE00  }
0x22b: {  	p1 =	slt.u32 @!p0 s28, $0x69;
	_ =	swait.ge @!p0 [sflag:s29], $0x400  }
.Ltmp10:
0x22c: {  	p1 =	por p1, p0;
	[sflag:s29] =	ssyncset.done @!p0 $0x0;
	(pc) =	sbr.rel .LBB2_11-.Ltmp10, $4  }
0x22d: {  	[sflag:s29] =	ssyncadd.s32 @!p0 $0xFFFFFC00;
	s29 =	simm.s32 @!p1 $0x1  }
0x22e: {  	_ =	swait.ge @!p1 [sflag:s29], $0xC00  }
0x22f: {  	[sflag:s29] =	ssyncset.done @!p1 $0x0  }
0x230: {  	[sflag:s29] =	ssyncadd.s32 @!p1 $0xFFFFF400  }
.LBB2_14:
0x231: {  	p0 =	slt.s32 s28, $0x1  }
.Ltmp11:
0x232: {  	_ = 	snop;
	(pc) =	sbr.rel @p0 .LBB2_15-.Ltmp11, $1  }
0x233: {  	_ =	sdelay $0x3  }
.LBB2_11:
0x234: {  	s29 =	simm.s32 $0x25A0  }
0x235: {  	p0 =	sne.s32 s28, $0x1;
	v2 =	vld [tilespmem:s29+$0x0]  }
.Ltmp12:
0x236: {  	v6 =	vld [tilespmem:s29+$0xFFFFFFF0];
	(pc) =	sbr.rel @!p0 .LBB2_13-.Ltmp12, $3  }
0x237: {  	_ =	sdelay $0x1  }
0x238: {  	v1 =	vimm.f32 $0.0e+00;
	v3 =	vimm.f32 $0.0e+00;
	v4 =	vimm.f32 $0.0e+00  }
0x239: {  	s28 =	sadd.s32 $0xFFFFFFFF, s28;
	v5 =	vimm.f32 $0.0e+00;
	s29 =	simm.s32 $0x25C0;
	v7 =	vunpack.i.u.bf16.f32 v2;
	v2 =	vunpack.i.l.bf16.f32 v2  }
.LBB2_12:
0x23a: {  	v8 =	vld [tilespmem:s29+$0x0];
	p0 =	sne.s32 s28, $0x1;
	s28 =	sadd.s32 $0xFFFFFFFF, s28;
	v9 =	vunpack.i.u.bf16.f32 v6;
	v10 =	vunpack.i.l.bf16.f32 v6;
	v1 =	vadd.f32 v7, v1  }
.Ltmp13:
0x23b: {  	v6 =	vld [tilespmem:s29+$0xFFFFFFF0];
	v3 =	vadd.f32 v10, v3;
	v4 =	vadd.f32 v9, v4;
	(pc) =	sbr.rel @p0 .LBB2_12-.Ltmp13, $2  }
0x23c: {  	v5 =	vadd.f32 v2, v5;
	_ =	sdelay $0x2  }
0x23d: {  	s29 =	sadd.s32 $0x20, s29;
	v7 =	vunpack.i.u.bf16.f32 v8;
	v2 =	vunpack.i.l.bf16.f32 v8  }
.LBB2_13:
0x23e: {  	v8 =	vunpack.i.l.bf16.f32 v6  }
0x23f: {  	v9 =	vunpack.i.u.bf16.f32 v6;
	v1 =	vadd.f32 v7, v1;
	v2 =	vadd.f32 v2, v5  }
0x240: {  	v6 =	vadd.f32 v8, v3;
	v3 =	vadd.f32 v9, v4  }
.LBB2_16:
0x241: {  	p6 =	seq.s32 s23, $0xF  }
0x242: {  	s28 =	sld @!p6 [smem:s26+$0x2];
	_ =	sdelay $0x1  }
0x243: {  	s29 =	sshll.u32 s23, $0x7  }
0x244: {  	s29 =	sand.u32 $0x3FFFFF80, s29;
	p1 =	slt.s32 @!p6 s28, $0x39  }
0x245: {  	s26 =	sadd.s32 @!p6 $0x2, s26;
	[tilespmem:s29+$0x5890] =	vst v6;
	p2 =	por p1, p6  }
0x246: {  	[tilespmem:s29+$0x58A0] =	vst v3;
	s26 =	smul.u32 @!p6 $0x320, s26;
	p4 =	slt.u32 @!p2 s28, $0x49  }
0x247: {  	[tilespmem:s29+$0x58B0] =	vst v2;
	p0 =	por @!p6 p4, p1  }
0x248: {  	[tilespmem:s29+$0x58C0] =	vst v1;
	s29 =	simm.s32 @!p6 $0x2590;
	s26 =	sshra.s32 @!p6 s26, $0x2;
	p0 =	por p0, p6  }
0x249: {  	s30 =	simm.s32 @!p2 $0x2C90;
	p5 =	slt.u32 @!p0 s28, $0x69;
	s28 =	simm.s32 @!p6 $0x38  }
0x24a: {  	[tilespmem:s29], [sflag:$0x1] =	stream.indirect.gather @!p6 [spmem:s1], $0x20, s26, s28, $0xb8;
	[tilespmem:$0x1E8A0] =	vst v63  }
0x24b: {  	p4 =	por @!p2 p5, p4;
	s28 =	sadd.s32 @!p2 $0x38, s26;
	s29 =	simm.s32 @!p2 $0x10  }
0x24c: {  	[tilespmem:s30], [sflag:$0x1] =	stream.indirect.gather @!p2 [spmem:s1], $0x20, s28, s29, $0xb8;
	[tilespmem:$0x1E8A0] =	vst v63  }
0x24d: {  	s28 =	sadd.s32 @!p0 $0x48, s26;
	s29 =	simm.s32 @!p0 $0x20;
	s30 =	simm.s32 @!p0 $0x2E90  }
0x24e: {  	[tilespmem:s30], [sflag:$0x1] =	stream.indirect.gather @!p0 [spmem:s1], $0x20, s28, s29, $0xb8;
	[tilespmem:$0x1E8A0] =	vst v63  }
0x24f: {  	p0 =	por @!p6 p4, p1  }
0x250: {  	p0 =	por p0, p6  }
0x251: {  	s26 =	sadd.s32 @!p0 $0x68, s26;
	s28 =	simm.s32 @!p0 $0x60;
	s29 =	simm.s32 @!p0 $0x3290  }
0x252: {  	[tilespmem:s29], [sflag:$0x1] =	stream.indirect.gather @!p0 [spmem:s1], $0x20, s26, s28, $0xb8;
	[tilespmem:$0x1E8A0] =	vst v63  }
0x253: {  	_ =	swait.ge [sflag:s19], $0x700  }
0x254: {  	[sflag:s19] =	ssyncset.done $0x0  }
0x255: {  	s26 =	simm.s32 @!p3 $0x2;
	[sflag:s19] =	ssyncadd.s32 $0xFFFFF900  }
0x256: {  	_ =	swait.ge @!p3 [sflag:s26], $0x200  }
0x257: {  	s30 =	sld [smem:$0x7FA];
	_ =	sdelay $0x2  }
0x258: {  	[sflag:s26] =	ssyncset.done @!p3 $0x0;
	p0 =	seq.s32 s30, $0x1  }
0x259: {  	[sflag:s26] =	ssyncadd.s32 @!p3 $0xFFFFFE00;
	s26 =	simm.s32 @p0 $0x2  }
0x25a: {  	_ =	swait.ge @p0 [sflag:s26], $0x400  }
0x25b: {  	s31 =	sld [smem:$0x7F9]  }
0x25c: {  	[sflag:s26] =	ssyncset.done @p0 $0x0  }
0x25d: {  	[sflag:s26] =	ssyncadd.s32 @p0 $0xFFFFFC00;
	p0 =	slt.s32 s25, $0x1  }
.Ltmp14:
0x25e: {  	p1 =	seq.s32 s31, $0x1;
	(pc) =	sbr.rel @p0 .LBB2_17-.Ltmp14, $4  }
0x25f: {  	s26 =	simm.s32 @p1 $0x2  }
0x260: {  	_ =	swait.ge @p1 [sflag:s26], $0xC00  }
0x261: {  	[sflag:s26] =	ssyncset.done @p1 $0x0  }
0x262: {  	v1 =	vimm.f32 $0.0e+00;
	[sflag:s26] =	ssyncadd.s32 @p1 $0xFFFFF400;
	s26 =	simm.s32 $0x3EA0  }
0x263: {  	v2 =	vld [tilespmem:s26+$0x0];
	p0 =	sne.s32 s25, $0x1  }
.Ltmp15:
0x264: {  	v6 =	vld [tilespmem:s26+$0xFFFFFFF0];
	(pc) =	sbr.rel @!p0 .LBB2_20-.Ltmp15, $3  }
0x265: {  	_ =	sdelay $0x1  }
0x266: {  	v3 =	vimm.f32 $0.0e+00;
	v4 =	vimm.f32 $0.0e+00  }
0x267: {  	s25 =	sadd.s32 $0xFFFFFFFF, s25;
	s26 =	sadd.s32 $0x20, s26;
	v5 =	vimm.f32 $0.0e+00;
	v7 =	vunpack.i.u.bf16.f32 v2;
	v2 =	vunpack.i.l.bf16.f32 v2  }
.LBB2_19:
0x268: {  	v8 =	vld [tilespmem:s26+$0x0];
	p0 =	sne.s32 s25, $0x1;
	s25 =	sadd.s32 $0xFFFFFFFF, s25;
	v9 =	vunpack.i.u.bf16.f32 v6;
	v10 =	vunpack.i.l.bf16.f32 v6;
	v1 =	vadd.f32 v7, v1  }
.Ltmp16:
0x269: {  	v6 =	vld [tilespmem:s26+$0xFFFFFFF0];
	v3 =	vadd.f32 v10, v3;
	v4 =	vadd.f32 v9, v4;
	(pc) =	sbr.rel @p0 .LBB2_19-.Ltmp16, $2  }
0x26a: {  	v5 =	vadd.f32 v2, v5;
	_ =	sdelay $0x2  }
0x26b: {  	s26 =	sadd.s32 $0x20, s26;
	v7 =	vunpack.i.u.bf16.f32 v8;
	v2 =	vunpack.i.l.bf16.f32 v8  }
.LBB2_20:
.Ltmp17:
0x26c: {  	(pc) =	sbr.rel .LBB2_21-.Ltmp17, $4  }
0x26d: {  	_ = 	snop  }
0x26e: {  	v8 =	vunpack.i.l.bf16.f32 v6  }
0x26f: {  	v7 =	vadd.f32 v7, v1;
	v6 =	vunpack.i.u.bf16.f32 v6;
	v2 =	vadd.f32 v2, v5  }
0x270: {  	v1 =	vadd.f32 v8, v3;
	v3 =	vadd.f32 v6, v4  }
.LBB2_15:
.Ltmp18:
0x271: {  	(pc) =	sbr.rel .LBB2_16-.Ltmp18, $3  }
0x272: {  	_ =	sdelay $0x1  }
0x273: {  	v6 =	vimm.f32 $0.0e+00  }
0x274: {  	v3 =	vimm.f32 $0.0e+00;
	v2 =	vimm.f32 $0.0e+00;
	v1 =	vimm.f32 $0.0e+00  }
.LBB2_24:
0x275: {  	_ =	sfence.sel $0x180000  }
0x276: {  	[bflag:$0x0] =	sbarrier.arrive $0xFFFF  }
0x277: {  	_ =	strace $0x90000047  }
0x278: {  	[bflag:$0x2] =	sbarrier.arrive $0xFFFF  }
0x279: {  	s1 =	sld [smem:$0x7FB];
	_ =	sdelay $0x2  }
0x27a: {  	p0 =	seq.s32 s1, $0x1  }
0x27b: {  	s0 =	sadd.s32 @!p0 $0x100000, s0  }
0x27c: {  	[sflag:s0] =	ssyncadd.tile.s32 @!p0 $0x1;
	_ =	shalt  }
.Lfunc_end2:
_tile_overlayer_lowered:
.L_overlay_start_2:
0x27d: {  	(tag) =	ssettag $0x2  }
0x27e: {  	s0 =	rddreg [dreg:$0x0];
	s2 =	stileid.u32  }
0x27f: {  	s1 =	rddreg [dreg:$0x1];
	p0 =	sne.s32 s2, $0x0  }
0x280: {  	s3 =	rddreg [dreg:$0x2];
	[bflag:$0x3] =	sbarrier.arrive $0xFFFF;
	s2 =	simm.s32 @!p0 $0x1C04  }
0x281: {  	[timem:s3], [sflag:s2] =	dma.local @!p0 [hbm:s0], s1  }
0x282: {  	s0 =	simm.s32 @!p0 $0x4  }
0x283: {  	_ =	swait.ge @!p0 [sflag:s0], s1  }
0x284: {  	s1 =	ssub.s32 @!p0 $0x0, s1;
	[sflag:s0] =	ssyncset.done @!p0 $0x0  }
0x285: {  	[sflag:s0] =	ssyncadd.s32 @!p0 s1  }
0x286: {  	[bflag:$0x3] =	sbarrier.arrive $0xFFFF  }
0x287: {  	_ =	shalt  }

</sc_bundles>
